<compile_context>
chip_gen: v7x
topology: tpu7x:2x2x1
jax: 0.10.2.dev20260603
libtpu: 0.0.44.dev20260713+nightly
codegen_flags: <defaults>
</compile_context>

<pallas_src>
import functools

import jax
import jax.numpy as jnp
from jax import lax
from jax.experimental import pallas as pl
from jax.experimental.pallas import tpu as pltpu
from jax.experimental.pallas import tpu_sc as plsc

NC = 2
NS = 16
NW = NC * NS
L = 16
CHUNK = 128


def _sc_mesh():
    return plsc.VectorSubcoreMesh(core_axis_name="c", subcore_axis_name="s")


def _degree_call(src3, dst3, nacc):
    nchunk = src3.shape[1]
    rows = nacc // NS

    @functools.partial(
        pl.kernel,
        out_type=jax.ShapeDtypeStruct((2, NC, nacc), jnp.float32),
        mesh=_sc_mesh(),
        scratch_types=[
            pltpu.VMEM((nchunk, CHUNK), jnp.int32),
            pltpu.VMEM((nchunk, CHUNK), jnp.int32),
            pltpu.VMEM((CHUNK,), jnp.float32),
            pltpu.VMEM((rows,), jnp.float32),
            pltpu.VMEM_SHARED((nacc,), jnp.float32),
            pltpu.VMEM_SHARED((nacc,), jnp.float32),
        ],
    )
    def deg_kernel(src_hbm, dst_hbm, degs_out, idx_s, idx_d, ones_v, zbuf,
                   dsrc_sh, ddst_sh):
        cid = lax.axis_index("c")
        sid = lax.axis_index("s")
        wid = cid * NS + sid

        def fill_ones(i, _):
            ones_v[pl.ds(i * L, L)] = jnp.ones((L,), jnp.float32)
            return 0

        lax.fori_loop(0, CHUNK // L, fill_ones, 0)

        def fill_zero(i, _):
            zbuf[pl.ds(i * L, L)] = jnp.zeros((L,), jnp.float32)
            return 0

        lax.fori_loop(0, rows // L, fill_zero, 0)

        pltpu.sync_copy(zbuf, dsrc_sh.at[pl.ds(sid * rows, rows)])
        pltpu.sync_copy(zbuf, ddst_sh.at[pl.ds(sid * rows, rows)])
        plsc.subcore_barrier()

        pltpu.sync_copy(src_hbm.at[wid], idx_s)
        pltpu.sync_copy(dst_hbm.at[wid], idx_d)

        def body(j, _):
            pltpu.sync_copy(ones_v, dsrc_sh.at[idx_s.at[j]], add=True)
            pltpu.sync_copy(ones_v, ddst_sh.at[idx_d.at[j]], add=True)
            return 0

        lax.fori_loop(0, nchunk, body, 0)
        plsc.subcore_barrier()

        pltpu.sync_copy(dsrc_sh.at[pl.ds(sid * rows, rows)],
                        degs_out.at[0, cid, pl.ds(sid * rows, rows)])
        pltpu.sync_copy(ddst_sh.at[pl.ds(sid * rows, rows)],
                        degs_out.at[1, cid, pl.ds(sid * rows, rows)])

    return deg_kernel(src3, dst3)


def _scatter_call(h2, src3, dst3, nacc):
    nchunk = src3.shape[1]
    d = h2.shape[1]
    rows = nacc // NS

    @functools.partial(
        pl.kernel,
        out_type=jax.ShapeDtypeStruct((NC, nacc, d), jnp.float32),
        mesh=_sc_mesh(),
        scratch_types=[
            pltpu.VMEM((nchunk, CHUNK), jnp.int32),
            pltpu.VMEM((nchunk, CHUNK), jnp.int32),
            pltpu.VMEM((CHUNK, d), jnp.float32),
            pltpu.VMEM_SHARED((nacc, d), jnp.float32),
            pltpu.SemaphoreType.DMA,
        ],
    )
    def scat_kernel(h2_hbm, src_hbm, dst_hbm, part_out, idx_s, idx_d,
                    rows_v, acc_sh, sem):
        cid = lax.axis_index("c")
        sid = lax.axis_index("s")
        wid = cid * NS + sid

        def fill_zero(i, _):
            rows_v[i // (d // L), pl.ds((i % (d // L)) * L, L)] = (
                jnp.zeros((L,), jnp.float32))
            return 0

        lax.fori_loop(0, CHUNK * (d // L), fill_zero, 0)

        for k in range(rows // CHUNK):
            pltpu.sync_copy(rows_v, acc_sh.at[pl.ds(sid * rows + k * CHUNK, CHUNK)])
        plsc.subcore_barrier()

        pltpu.sync_copy(src_hbm.at[wid], idx_s)
        pltpu.sync_copy(dst_hbm.at[wid], idx_d)

        def body(j, _):
            pltpu.async_copy(h2_hbm.at[idx_s.at[j]], rows_v, sem).wait()
            pltpu.sync_copy(rows_v, acc_sh.at[idx_d.at[j]], add=True)
            return 0

        lax.fori_loop(0, nchunk, body, 0)
        plsc.subcore_barrier()

        pltpu.sync_copy(acc_sh.at[pl.ds(sid * rows, rows)],
                        part_out.at[cid, pl.ds(sid * rows, rows)])

    return scat_kernel(h2, src3, dst3)


def _h2_call(x, wc, deg_src3):
    n, d = x.shape
    h1 = wc.shape[1]
    blk = 2000

    def body(x_ref, wc_ref, deg_ref, out_ref):
        h = jnp.dot(x_ref[...], wc_ref[...], preferred_element_type=jnp.float32)
        deg = deg_ref[0] + deg_ref[1] + 1.0
        out_ref[...] = h * lax.rsqrt(deg)

    return pl.pallas_call(
        body,
        grid=(n // blk,),
        in_specs=[
            pl.BlockSpec((blk, d), lambda b: (b, 0)),
            pl.BlockSpec((d, h1), lambda b: (0, 0)),
            pl.BlockSpec((2, blk, 1), lambda b: (0, b, 0)),
        ],
        out_specs=pl.BlockSpec((blk, h1), lambda b: (b, 0)),
        out_shape=jax.ShapeDtypeStruct((n, h1), jnp.float32),
    )(x, wc, deg_src3)


def _final_call(part, h2, deg_dst3, bc2, w1, b1_2, w2, b2_2, w3, b3_2):
    n, h1 = h2.shape
    f1 = w1.shape[1]
    f2 = w2.shape[1]
    out = w3.shape[1]
    blk = 2000
    nblk = n // blk

    def body(p_ref, h2_ref, deg_ref, bc_ref, w1_ref, b1_ref, w2_ref, b2_ref,
             w3_ref, b3_ref, out_ref, mx_ref):
        b = pl.program_id(0)
        tot = p_ref[0] + p_ref[1] + h2_ref[...]
        deg = deg_ref[0] + deg_ref[1] + 1.0
        agg = tot * lax.rsqrt(deg) + bc_ref[...]
        r = jnp.max(jnp.maximum(agg, 0.0), axis=0, keepdims=True)

        @pl.when(b == 0)
        def _():
            mx_ref[...] = r

        @pl.when(b > 0)
        def _():
            mx_ref[...] = jnp.maximum(mx_ref[...], r)

        @pl.when(b == nblk - 1)
        def _():
            hg = mx_ref[...]
            a = jnp.dot(hg, w1_ref[...], preferred_element_type=jnp.float32)
            a = jnp.maximum(a + b1_ref[...], 0.0)
            a = jnp.dot(a, w2_ref[...], preferred_element_type=jnp.float32)
            a = jnp.maximum(a + b2_ref[...], 0.0)
            a = jnp.dot(a, w3_ref[...], preferred_element_type=jnp.float32)
            out_ref[...] = a + b3_ref[...]

    return pl.pallas_call(
        body,
        grid=(nblk,),
        in_specs=[
            pl.BlockSpec((NC, blk, h1), lambda b: (0, b, 0)),
            pl.BlockSpec((blk, h1), lambda b: (b, 0)),
            pl.BlockSpec((2, blk, 1), lambda b: (0, b, 0)),
            pl.BlockSpec((1, h1), lambda b: (0, 0)),
            pl.BlockSpec((h1, f1), lambda b: (0, 0)),
            pl.BlockSpec((1, f1), lambda b: (0, 0)),
            pl.BlockSpec((f1, f2), lambda b: (0, 0)),
            pl.BlockSpec((1, f2), lambda b: (0, 0)),
            pl.BlockSpec((f2, out), lambda b: (0, 0)),
            pl.BlockSpec((1, out), lambda b: (0, 0)),
        ],
        out_specs=pl.BlockSpec((1, out), lambda b: (0, 0)),
        out_shape=jax.ShapeDtypeStruct((1, out), jnp.float32),
        scratch_shapes=[pltpu.VMEM((1, h1), jnp.float32)],
    )(part, h2, deg_dst3, bc2, w1, b1_2, w2, b2_2, w3, b3_2)


def kernel(x, edge_index, Wc, bc, W1, b1, W2, b2, W3, b3):
    n = x.shape[0]
    e = edge_index.shape[1]

    nacc = ((n + 1 + NS * CHUNK - 1) // (NS * CHUNK)) * (NS * CHUNK)
    step = NW * CHUNK
    epad = ((e + step - 1) // step) * step
    nchunk = epad // (NW * CHUNK)
    padn = epad - e

    src = edge_index[0]
    dst = edge_index[1]
    pad_ignore = jnp.full((padn,), n, dtype=jnp.int32)
    src_deg3 = jnp.concatenate([src, pad_ignore]).reshape(NW, nchunk, CHUNK)
    src_gat3 = jnp.concatenate(
        [src, jnp.zeros((padn,), dtype=jnp.int32)]).reshape(NW, nchunk, CHUNK)
    dst3 = jnp.concatenate([dst, pad_ignore]).reshape(NW, nchunk, CHUNK)

    degs = _degree_call(src_deg3, dst3, nacc)
    deg_src3 = degs[0][:, :n].reshape(NC, n, 1)
    deg_dst3 = degs[1][:, :n].reshape(NC, n, 1)

    h2 = _h2_call(x, Wc, deg_src3)
    part = _scatter_call(h2, src_gat3, dst3, nacc)

    res = _final_call(
        part, h2, deg_dst3,
        bc.reshape(1, -1), W1, b1.reshape(1, -1),
        W2, b2.reshape(1, -1), W3, b3.reshape(1, -1))
    return res[0]

# --- scband reference (transcript-rebuilt; emitter-appended) ---
"""Pipeline reference for scband-model-nn1-layer-7834020348010 (READ-ONLY COPY).

The authoritative reference and input builder live on the scoring server;
editing this copy changes nothing except your own understanding.
"""

import jax, jax.numpy as jnp
import numpy as np

N, E, D, H1, F1, F2, OUT = 10000, 320000, 128, 128, 256, 128, 10

def _xavier(key, shape):
    fan_in, fan_out = shape[0], shape[1]
    a = (6.0 / (fan_in + fan_out)) ** 0.5
    return jax.random.uniform(key, shape, dtype=jnp.float32, minval=-a, maxval=a)

def setup_inputs(seed: int = 0) -> dict:
    key = jax.random.key(seed)
    ks = jax.random.split(key, 10)
    x = jax.random.normal(ks[0], (N, D), dtype=jnp.float32)
    edge_index = jax.random.randint(ks[1], (2, E), 0, N, dtype=jnp.int32)
    Wc = _xavier(ks[2], (D, H1))
    bc = jnp.zeros((H1,), dtype=jnp.float32)
    W1 = _xavier(ks[3], (H1, F1))
    b1 = jnp.zeros((F1,), dtype=jnp.float32)
    W2 = _xavier(ks[4], (F1, F2))
    b2 = jnp.zeros((F2,), dtype=jnp.float32)
    W3 = _xavier(ks[5], (F2, OUT))
    b3 = jnp.zeros((OUT,), dtype=jnp.float32)
    return {"x": x, "edge_index": edge_index, "Wc": Wc, "bc": bc, "W1": W1, "b1": b1, "W2": W2, "b2": b2, "W3": W3, "b3": b3}

def reference(x, edge_index, Wc, bc, W1, b1, W2, b2, W3, b3):
    n = x.shape[0]
    loops = jnp.arange(n, dtype=edge_index.dtype)
    src = jnp.concatenate([edge_index[0], loops])
    dst = jnp.concatenate([edge_index[1], loops])
    ones = jnp.ones_like(src, dtype=x.dtype)
    deg_out = jax.ops.segment_sum(ones, src, num_segments=n)
    deg_in = jax.ops.segment_sum(ones, dst, num_segments=n)
    norm_src = jnp.where(deg_out > 0, deg_out ** -0.5, 0.0)
    norm_dst = jnp.where(deg_in > 0, deg_in ** -0.5, 0.0)
    # DGL GraphConv (norm='both'): D_in^{-1/2} A D_out^{-1/2} X W + b
    h = x @ Wc
    msg = h[src] * norm_src[src][:, None]
    agg = jax.ops.segment_sum(msg, dst, num_segments=n) * norm_dst[:, None] + bc
    h = jax.nn.relu(agg)
    # dgl.max_nodes readout over the single graph -> [1, H1]
    hg = jnp.max(h, axis=0, keepdims=True)
    a = jax.nn.relu(hg @ W1 + b1)
    a = jax.nn.relu(a @ W2 + b2)
    a = a @ W3 + b3
    # torch.cat over the single-graph list then .squeeze()
    return jnp.squeeze(a)

if __name__ == "__main__":
    import jax
    _d = setup_inputs()
    print(jax.jit(kernel)(*tuple(_d.values())))

</pallas_src>

<mosaic_0001>
#map = affine_map<(d0, d1) -> (0, 0, 0)>
module attributes {stable_mosaic.version = 14 : i64} {
  func.func @deg_kernel(%arg0: i32, %arg1: i32, %arg2: memref<32x79x128xi32, #tpu.memory_space<hbm>>, %arg3: memref<32x79x128xi32, #tpu.memory_space<hbm>>, %arg4: memref<2x2x10240xf32, #tpu.memory_space<hbm>>, %arg5: memref<79x128xi32, #tpu.memory_space<vmem>>, %arg6: memref<79x128xi32, #tpu.memory_space<vmem>>, %arg7: memref<128xf32, #tpu.memory_space<vmem>>, %arg8: memref<640xf32, #tpu.memory_space<vmem>>, %arg9: memref<10240xf32, #tpu.memory_space<vmem_shared>>, %arg10: memref<10240xf32, #tpu.memory_space<vmem_shared>>) attributes {dimension_semantics = [#tpu.dimension_semantics<core_parallel>, #tpu.dimension_semantics<subcore_parallel>], iteration_bounds = array<i64: 2, 16>, scalar_prefetch = 0 : i64, scratch_operands = 6 : i64, tpu.core_type = #tpu.core_type<sc_vector_subcore>, window_params = [{transform_indices = #map}, {transform_indices = #map}, {transform_indices = #map}]} {
    %mul3A = arith.constant 16 : i32
    %mul3A_0 = arith.muli %arg0, %mul3A : i32
    %add3A = arith.addi %mul3A_0, %arg1 : i32
    %scan3A = arith.constant 0 : i32
    %scan3A_1 = arith.constant 0 : i32
    %scan3A_2 = arith.constant 8 : i32
    %scan3A_3 = arith.addi %scan3A_1, %scan3A_2 : i32
    %scan3A_4 = arith.constant 1 : i32
    %scan3A_5 = scf.for %scan3A_35 = %scan3A_1 to %scan3A_3 step %scan3A_4 iter_args(%scan3A_36 = %scan3A) -> (i32)  : i32 {
      %broadcast_in_dim3A = arith.constant 1.000000e+00 : f32
      %broadcast_in_dim3A_37 = vector.broadcast %broadcast_in_dim3A : f32 to vector<16xf32>
      %mul3A_38 = arith.constant 16 : i32
      %mul3A_39 = arith.muli %scan3A_35, %mul3A_38 : i32
      %swap3A = arith.index_cast %mul3A_39 : i32 to index
      %swap3A_40 = tpu.vector_load %arg7[%swap3A] {strides = array<i32>} : memref<128xf32, #tpu.memory_space<vmem>>, vector<16xf32>,
      %swap3A_41 = vector.shape_cast %swap3A_40 : vector<16xf32> to vector<16xf32>
      %swap3A_42 = vector.shape_cast %broadcast_in_dim3A_37 : vector<16xf32> to vector<16xf32>
      tpu.vector_store %arg7[%swap3A], %swap3A_42 {strides = array<i32>} : memref<128xf32, #tpu.memory_space<vmem>>, vector<16xf32>,
      %scan3A_43 = arith.constant 0 : i32
      scf.yield %scan3A_43 : i32
    }
    %scan3A_6 = arith.constant 8 : i32
    %scan3A_7 = arith.constant 0 : i32
    %scan3A_8 = arith.constant 0 : i32
    %scan3A_9 = arith.constant 40 : i32
    %scan3A_10 = arith.addi %scan3A_8, %scan3A_9 : i32
    %scan3A_11 = arith.constant 1 : i32
    %scan3A_12 = scf.for %scan3A_35 = %scan3A_8 to %scan3A_10 step %scan3A_11 iter_args(%scan3A_36 = %scan3A_7) -> (i32)  : i32 {
      %broadcast_in_dim3A = arith.constant 0.000000e+00 : f32
      %broadcast_in_dim3A_37 = vector.broadcast %broadcast_in_dim3A : f32 to vector<16xf32>
      %mul3A_38 = arith.constant 16 : i32
      %mul3A_39 = arith.muli %scan3A_35, %mul3A_38 : i32
      %swap3A = arith.index_cast %mul3A_39 : i32 to index
      %swap3A_40 = tpu.vector_load %arg8[%swap3A] {strides = array<i32>} : memref<640xf32, #tpu.memory_space<vmem>>, vector<16xf32>,
      %swap3A_41 = vector.shape_cast %swap3A_40 : vector<16xf32> to vector<16xf32>
      %swap3A_42 = vector.shape_cast %broadcast_in_dim3A_37 : vector<16xf32> to vector<16xf32>
      tpu.vector_store %arg8[%swap3A], %swap3A_42 {strides = array<i32>} : memref<640xf32, #tpu.memory_space<vmem>>, vector<16xf32>,
      %scan3A_43 = arith.constant 0 : i32
      scf.yield %scan3A_43 : i32
    }
    %scan3A_13 = arith.constant 40 : i32
    %mul3A_14 = arith.constant 640 : i32
    %mul3A_15 = arith.muli %arg1, %mul3A_14 : i32
    "tpu.region"() ({
      %run_scoped3A_35 = tpu.sem_alloc : memref<!tpu.dma_semaphore, #tpu.memory_space<semaphore_mem>>
      %dma_start3A = tpu.memref_slice %arg9[%mul3A_15] : memref<10240xf32, #tpu.memory_space<vmem_shared>> -> memref<640xf32, #tpu.memory_space<vmem_shared>>
      %dma_start3A_36 = tpu.memref_slice %arg9[%mul3A_15] : memref<10240xf32, #tpu.memory_space<vmem_shared>> -> memref<640xf32, #tpu.memory_space<vmem_shared>>
      tpu.enqueue_dma source(%arg8 : memref<640xf32, #tpu.memory_space<vmem>>) target(%dma_start3A_36 : memref<640xf32, #tpu.memory_space<vmem_shared>>) target_semaphore(%run_scoped3A_35 : memref<!tpu.dma_semaphore, #tpu.memory_space<semaphore_mem>>)
      %dma_wait3A = tpu.memref_slice %arg9[%mul3A_15] : memref<10240xf32, #tpu.memory_space<vmem_shared>> -> memref<640xf32, #tpu.memory_space<vmem_shared>>
      %dma_wait3A_37 = tpu.memref_slice %arg9[%mul3A_15] : memref<10240xf32, #tpu.memory_space<vmem_shared>> -> memref<640xf32, #tpu.memory_space<vmem_shared>>
      tpu.wait_dma2 semaphore(%run_scoped3A_35 : memref<!tpu.dma_semaphore, #tpu.memory_space<semaphore_mem>>) src(%arg8 : memref<640xf32, #tpu.memory_space<vmem>>) dst(%dma_wait3A_37 : memref<640xf32, #tpu.memory_space<vmem_shared>>)
      tpu.yield
    }) : () -> ()
    %mul3A_16 = arith.constant 640 : i32
    %mul3A_17 = arith.muli %arg1, %mul3A_16 : i32
    "tpu.region"() ({
      %run_scoped3A_35 = tpu.sem_alloc : memref<!tpu.dma_semaphore, #tpu.memory_space<semaphore_mem>>
      %dma_start3A = tpu.memref_slice %arg10[%mul3A_17] : memref<10240xf32, #tpu.memory_space<vmem_shared>> -> memref<640xf32, #tpu.memory_space<vmem_shared>>
      %dma_start3A_36 = tpu.memref_slice %arg10[%mul3A_17] : memref<10240xf32, #tpu.memory_space<vmem_shared>> -> memref<640xf32, #tpu.memory_space<vmem_shared>>
      tpu.enqueue_dma source(%arg8 : memref<640xf32, #tpu.memory_space<vmem>>) target(%dma_start3A_36 : memref<640xf32, #tpu.memory_space<vmem_shared>>) target_semaphore(%run_scoped3A_35 : memref<!tpu.dma_semaphore, #tpu.memory_space<semaphore_mem>>)
      %dma_wait3A = tpu.memref_slice %arg10[%mul3A_17] : memref<10240xf32, #tpu.memory_space<vmem_shared>> -> memref<640xf32, #tpu.memory_space<vmem_shared>>
      %dma_wait3A_37 = tpu.memref_slice %arg10[%mul3A_17] : memref<10240xf32, #tpu.memory_space<vmem_shared>> -> memref<640xf32, #tpu.memory_space<vmem_shared>>
      tpu.wait_dma2 semaphore(%run_scoped3A_35 : memref<!tpu.dma_semaphore, #tpu.memory_space<semaphore_mem>>) src(%arg8 : memref<640xf32, #tpu.memory_space<vmem>>) dst(%dma_wait3A_37 : memref<640xf32, #tpu.memory_space<vmem_shared>>)
      tpu.yield
    }) : () -> ()
    %barrier3A = arith.constant 0 : index
    tpu.barrier barrier_id(%barrier3A)
    "tpu.region"() ({
      %run_scoped3A_35 = tpu.sem_alloc : memref<!tpu.dma_semaphore, #tpu.memory_space<semaphore_mem>>
      %dma_start3A = arith.constant 0 : i32
      %dma_start3A_36 = arith.constant 0 : i32
      %dma_start3A_37 = tpu.memref_slice %arg2[%add3A, %dma_start3A, %dma_start3A_36] : memref<32x79x128xi32, #tpu.memory_space<hbm>> -> memref<1x79x128xi32, #tpu.memory_space<hbm>>
      %dma_start3A_38 = tpu.memref_squeeze %dma_start3A_37 : memref<1x79x128xi32, #tpu.memory_space<hbm>> -> memref<79x128xi32, #tpu.memory_space<hbm>>
      %dma_start3A_39 = arith.constant 0 : i32
      %dma_start3A_40 = arith.constant 0 : i32
      %dma_start3A_41 = tpu.memref_slice %arg2[%add3A, %dma_start3A_39, %dma_start3A_40] : memref<32x79x128xi32, #tpu.memory_space<hbm>> -> memref<1x79x128xi32, #tpu.memory_space<hbm>>
      %dma_start3A_42 = tpu.memref_squeeze %dma_start3A_41 : memref<1x79x128xi32, #tpu.memory_space<hbm>> -> memref<79x128xi32, #tpu.memory_space<hbm>>
      tpu.enqueue_dma source(%dma_start3A_42 : memref<79x128xi32, #tpu.memory_space<hbm>>) target(%arg5 : memref<79x128xi32, #tpu.memory_space<vmem>>) target_semaphore(%run_scoped3A_35 : memref<!tpu.dma_semaphore, #tpu.memory_space<semaphore_mem>>)
      %dma_wait3A = arith.constant 0 : i32
      %dma_wait3A_43 = arith.constant 0 : i32
      %dma_wait3A_44 = tpu.memref_slice %arg2[%add3A, %dma_wait3A, %dma_wait3A_43] : memref<32x79x128xi32, #tpu.memory_space<hbm>> -> memref<1x79x128xi32, #tpu.memory_space<hbm>>
      %dma_wait3A_45 = tpu.memref_squeeze %dma_wait3A_44 : memref<1x79x128xi32, #tpu.memory_space<hbm>> -> memref<79x128xi32, #tpu.memory_space<hbm>>
      %dma_wait3A_46 = arith.constant 0 : i32
      %dma_wait3A_47 = arith.constant 0 : i32
      %dma_wait3A_48 = tpu.memref_slice %arg2[%add3A, %dma_wait3A_46, %dma_wait3A_47] : memref<32x79x128xi32, #tpu.memory_space<hbm>> -> memref<1x79x128xi32, #tpu.memory_space<hbm>>
      %dma_wait3A_49 = tpu.memref_squeeze %dma_wait3A_48 : memref<1x79x128xi32, #tpu.memory_space<hbm>> -> memref<79x128xi32, #tpu.memory_space<hbm>>
      tpu.wait_dma2 semaphore(%run_scoped3A_35 : memref<!tpu.dma_semaphore, #tpu.memory_space<semaphore_mem>>) src(%dma_wait3A_49 : memref<79x128xi32, #tpu.memory_space<hbm>>) dst(%arg5 : memref<79x128xi32, #tpu.memory_space<vmem>>)
      tpu.yield
    }) : () -> ()
    "tpu.region"() ({
      %run_scoped3A_35 = tpu.sem_alloc : memref<!tpu.dma_semaphore, #tpu.memory_space<semaphore_mem>>
      %dma_start3A = arith.constant 0 : i32
      %dma_start3A_36 = arith.constant 0 : i32
      %dma_start3A_37 = tpu.memref_slice %arg3[%add3A, %dma_start3A, %dma_start3A_36] : memref<32x79x128xi32, #tpu.memory_space<hbm>> -> memref<1x79x128xi32, #tpu.memory_space<hbm>>
      %dma_start3A_38 = tpu.memref_squeeze %dma_start3A_37 : memref<1x79x128xi32, #tpu.memory_space<hbm>> -> memref<79x128xi32, #tpu.memory_space<hbm>>
      %dma_start3A_39 = arith.constant 0 : i32
      %dma_start3A_40 = arith.constant 0 : i32
      %dma_start3A_41 = tpu.memref_slice %arg3[%add3A, %dma_start3A_39, %dma_start3A_40] : memref<32x79x128xi32, #tpu.memory_space<hbm>> -> memref<1x79x128xi32, #tpu.memory_space<hbm>>
      %dma_start3A_42 = tpu.memref_squeeze %dma_start3A_41 : memref<1x79x128xi32, #tpu.memory_space<hbm>> -> memref<79x128xi32, #tpu.memory_space<hbm>>
      tpu.enqueue_dma source(%dma_start3A_42 : memref<79x128xi32, #tpu.memory_space<hbm>>) target(%arg6 : memref<79x128xi32, #tpu.memory_space<vmem>>) target_semaphore(%run_scoped3A_35 : memref<!tpu.dma_semaphore, #tpu.memory_space<semaphore_mem>>)
      %dma_wait3A = arith.constant 0 : i32
      %dma_wait3A_43 = arith.constant 0 : i32
      %dma_wait3A_44 = tpu.memref_slice %arg3[%add3A, %dma_wait3A, %dma_wait3A_43] : memref<32x79x128xi32, #tpu.memory_space<hbm>> -> memref<1x79x128xi32, #tpu.memory_space<hbm>>
      %dma_wait3A_45 = tpu.memref_squeeze %dma_wait3A_44 : memref<1x79x128xi32, #tpu.memory_space<hbm>> -> memref<79x128xi32, #tpu.memory_space<hbm>>
      %dma_wait3A_46 = arith.constant 0 : i32
      %dma_wait3A_47 = arith.constant 0 : i32
      %dma_wait3A_48 = tpu.memref_slice %arg3[%add3A, %dma_wait3A_46, %dma_wait3A_47] : memref<32x79x128xi32, #tpu.memory_space<hbm>> -> memref<1x79x128xi32, #tpu.memory_space<hbm>>
      %dma_wait3A_49 = tpu.memref_squeeze %dma_wait3A_48 : memref<1x79x128xi32, #tpu.memory_space<hbm>> -> memref<79x128xi32, #tpu.memory_space<hbm>>
      tpu.wait_dma2 semaphore(%run_scoped3A_35 : memref<!tpu.dma_semaphore, #tpu.memory_space<semaphore_mem>>) src(%dma_wait3A_49 : memref<79x128xi32, #tpu.memory_space<hbm>>) dst(%arg6 : memref<79x128xi32, #tpu.memory_space<vmem>>)
      tpu.yield
    }) : () -> ()
    %scan3A_18 = arith.constant 0 : i32
    %scan3A_19 = arith.constant 0 : i32
    %scan3A_20 = arith.constant 79 : i32
    %scan3A_21 = arith.addi %scan3A_19, %scan3A_20 : i32
    %scan3A_22 = arith.constant 1 : i32
    %scan3A_23 = scf.for %scan3A_35 = %scan3A_19 to %scan3A_21 step %scan3A_22 iter_args(%scan3A_36 = %scan3A_18) -> (i32)  : i32 {
      "tpu.region"() ({
        %run_scoped3A_38 = tpu.sem_alloc : memref<!tpu.dma_semaphore, #tpu.memory_space<semaphore_mem>>
        %dma_start3A = arith.constant 0 : i32
        %dma_start3A_39 = tpu.memref_slice %arg5[%scan3A_35, %dma_start3A] : memref<79x128xi32, #tpu.memory_space<vmem>> -> memref<1x128xi32, #tpu.memory_space<vmem>>
        %dma_start3A_40 = tpu.memref_squeeze %dma_start3A_39 : memref<1x128xi32, #tpu.memory_space<vmem>> -> memref<128xi32, #tpu.memory_space<vmem>>
        %dma_start3A_41 = arith.constant 0 : i32
        %dma_start3A_42 = tpu.memref_slice %arg9[%dma_start3A_41] : memref<10240xf32, #tpu.memory_space<vmem_shared>> -> memref<10240xf32, #tpu.memory_space<vmem_shared>>
        tpu.enqueue_indirect_dma source(%arg7 : memref<128xf32, #tpu.memory_space<vmem>>) target(%dma_start3A_42 : memref<10240xf32, #tpu.memory_space<vmem_shared>>) offsets(%dma_start3A_40 : memref<128xi32, #tpu.memory_space<vmem>>) semaphore(%run_scoped3A_38 : memref<!tpu.dma_semaphore, #tpu.memory_space<semaphore_mem>>) {add = true}
        %dma_wait3A = arith.constant 0 : i32
        %dma_wait3A_43 = tpu.memref_slice %arg5[%scan3A_35, %dma_wait3A] : memref<79x128xi32, #tpu.memory_space<vmem>> -> memref<1x128xi32, #tpu.memory_space<vmem>>
        %dma_wait3A_44 = tpu.memref_squeeze %dma_wait3A_43 : memref<1x128xi32, #tpu.memory_space<vmem>> -> memref<128xi32, #tpu.memory_space<vmem>>
        %dma_wait3A_45 = arith.constant 0 : i32
        %dma_wait3A_46 = tpu.memref_slice %arg9[%dma_wait3A_45] : memref<10240xf32, #tpu.memory_space<vmem_shared>> -> memref<10240xf32, #tpu.memory_space<vmem_shared>>
        tpu.wait_indirect_dma semaphore(%run_scoped3A_38 : memref<!tpu.dma_semaphore, #tpu.memory_space<semaphore_mem>>) src(%arg7 : memref<128xf32, #tpu.memory_space<vmem>>) dst(%dma_wait3A_46 : memref<10240xf32, #tpu.memory_space<vmem_shared>>)
        tpu.yield
      }) : () -> ()
      "tpu.region"() ({
        %run_scoped3A_38 = tpu.sem_alloc : memref<!tpu.dma_semaphore, #tpu.memory_space<semaphore_mem>>
        %dma_start3A = arith.constant 0 : i32
        %dma_start3A_39 = tpu.memref_slice %arg6[%scan3A_35, %dma_start3A] : memref<79x128xi32, #tpu.memory_space<vmem>> -> memref<1x128xi32, #tpu.memory_space<vmem>>
        %dma_start3A_40 = tpu.memref_squeeze %dma_start3A_39 : memref<1x128xi32, #tpu.memory_space<vmem>> -> memref<128xi32, #tpu.memory_space<vmem>>
        %dma_start3A_41 = arith.constant 0 : i32
        %dma_start3A_42 = tpu.memref_slice %arg10[%dma_start3A_41] : memref<10240xf32, #tpu.memory_space<vmem_shared>> -> memref<10240xf32, #tpu.memory_space<vmem_shared>>
        tpu.enqueue_indirect_dma source(%arg7 : memref<128xf32, #tpu.memory_space<vmem>>) target(%dma_start3A_42 : memref<10240xf32, #tpu.memory_space<vmem_shared>>) offsets(%dma_start3A_40 : memref<128xi32, #tpu.memory_space<vmem>>) semaphore(%run_scoped3A_38 : memref<!tpu.dma_semaphore, #tpu.memory_space<semaphore_mem>>) {add = true}
        %dma_wait3A = arith.constant 0 : i32
        %dma_wait3A_43 = tpu.memref_slice %arg6[%scan3A_35, %dma_wait3A] : memref<79x128xi32, #tpu.memory_space<vmem>> -> memref<1x128xi32, #tpu.memory_space<vmem>>
        %dma_wait3A_44 = tpu.memref_squeeze %dma_wait3A_43 : memref<1x128xi32, #tpu.memory_space<vmem>> -> memref<128xi32, #tpu.memory_space<vmem>>
        %dma_wait3A_45 = arith.constant 0 : i32
        %dma_wait3A_46 = tpu.memref_slice %arg10[%dma_wait3A_45] : memref<10240xf32, #tpu.memory_space<vmem_shared>> -> memref<10240xf32, #tpu.memory_space<vmem_shared>>
        tpu.wait_indirect_dma semaphore(%run_scoped3A_38 : memref<!tpu.dma_semaphore, #tpu.memory_space<semaphore_mem>>) src(%arg7 : memref<128xf32, #tpu.memory_space<vmem>>) dst(%dma_wait3A_46 : memref<10240xf32, #tpu.memory_space<vmem_shared>>)
        tpu.yield
      }) : () -> ()
      %scan3A_37 = arith.constant 0 : i32
      scf.yield %scan3A_37 : i32
    }
    %scan3A_24 = arith.constant 79 : i32
    %barrier3A_25 = arith.constant 0 : index
    tpu.barrier barrier_id(%barrier3A_25)
    %mul3A_26 = arith.constant 640 : i32
    %mul3A_27 = arith.muli %arg1, %mul3A_26 : i32
    %mul3A_28 = arith.constant 640 : i32
    %mul3A_29 = arith.muli %arg1, %mul3A_28 : i32
    %run_scoped3A = arith.constant 0 : i32
    "tpu.region"() ({
      %run_scoped3A_35 = tpu.sem_alloc : memref<!tpu.dma_semaphore, #tpu.memory_space<semaphore_mem>>
      %dma_start3A = tpu.memref_slice %arg4[%run_scoped3A, %arg0, %mul3A_29] : memref<2x2x10240xf32, #tpu.memory_space<hbm>> -> memref<1x1x640xf32, #tpu.memory_space<hbm>>
      %dma_start3A_36 = tpu.memref_squeeze %dma_start3A : memref<1x1x640xf32, #tpu.memory_space<hbm>> -> memref<640xf32, #tpu.memory_space<hbm>>
      %dma_start3A_37 = tpu.memref_slice %arg9[%mul3A_27] : memref<10240xf32, #tpu.memory_space<vmem_shared>> -> memref<640xf32, #tpu.memory_space<vmem_shared>>
      tpu.enqueue_dma source(%dma_start3A_37 : memref<640xf32, #tpu.memory_space<vmem_shared>>) target(%dma_start3A_36 : memref<640xf32, #tpu.memory_space<hbm>>) target_semaphore(%run_scoped3A_35 : memref<!tpu.dma_semaphore, #tpu.memory_space<semaphore_mem>>)
      %dma_wait3A = tpu.memref_slice %arg4[%run_scoped3A, %arg0, %mul3A_29] : memref<2x2x10240xf32, #tpu.memory_space<hbm>> -> memref<1x1x640xf32, #tpu.memory_space<hbm>>
      %dma_wait3A_38 = tpu.memref_squeeze %dma_wait3A : memref<1x1x640xf32, #tpu.memory_space<hbm>> -> memref<640xf32, #tpu.memory_space<hbm>>
      %dma_wait3A_39 = tpu.memref_slice %arg9[%mul3A_27] : memref<10240xf32, #tpu.memory_space<vmem_shared>> -> memref<640xf32, #tpu.memory_space<vmem_shared>>
      tpu.wait_dma2 semaphore(%run_scoped3A_35 : memref<!tpu.dma_semaphore, #tpu.memory_space<semaphore_mem>>) src(%dma_wait3A_39 : memref<640xf32, #tpu.memory_space<vmem_shared>>) dst(%dma_wait3A_38 : memref<640xf32, #tpu.memory_space<hbm>>)
      tpu.yield
    }) : () -> ()
    %mul3A_30 = arith.constant 640 : i32
    %mul3A_31 = arith.muli %arg1, %mul3A_30 : i32
    %mul3A_32 = arith.constant 640 : i32
    %mul3A_33 = arith.muli %arg1, %mul3A_32 : i32
    %run_scoped3A_34 = arith.constant 1 : i32
    "tpu.region"() ({
      %run_scoped3A_35 = tpu.sem_alloc : memref<!tpu.dma_semaphore, #tpu.memory_space<semaphore_mem>>
      %dma_start3A = tpu.memref_slice %arg4[%run_scoped3A_34, %arg0, %mul3A_33] : memref<2x2x10240xf32, #tpu.memory_space<hbm>> -> memref<1x1x640xf32, #tpu.memory_space<hbm>>
      %dma_start3A_36 = tpu.memref_squeeze %dma_start3A : memref<1x1x640xf32, #tpu.memory_space<hbm>> -> memref<640xf32, #tpu.memory_space<hbm>>
      %dma_start3A_37 = tpu.memref_slice %arg10[%mul3A_31] : memref<10240xf32, #tpu.memory_space<vmem_shared>> -> memref<640xf32, #tpu.memory_space<vmem_shared>>
      tpu.enqueue_dma source(%dma_start3A_37 : memref<640xf32, #tpu.memory_space<vmem_shared>>) target(%dma_start3A_36 : memref<640xf32, #tpu.memory_space<hbm>>) target_semaphore(%run_scoped3A_35 : memref<!tpu.dma_semaphore, #tpu.memory_space<semaphore_mem>>)
      %dma_wait3A = tpu.memref_slice %arg4[%run_scoped3A_34, %arg0, %mul3A_33] : memref<2x2x10240xf32, #tpu.memory_space<hbm>> -> memref<1x1x640xf32, #tpu.memory_space<hbm>>
      %dma_wait3A_38 = tpu.memref_squeeze %dma_wait3A : memref<1x1x640xf32, #tpu.memory_space<hbm>> -> memref<640xf32, #tpu.memory_space<hbm>>
      %dma_wait3A_39 = tpu.memref_slice %arg10[%mul3A_31] : memref<10240xf32, #tpu.memory_space<vmem_shared>> -> memref<640xf32, #tpu.memory_space<vmem_shared>>
      tpu.wait_dma2 semaphore(%run_scoped3A_35 : memref<!tpu.dma_semaphore, #tpu.memory_space<semaphore_mem>>) src(%dma_wait3A_39 : memref<640xf32, #tpu.memory_space<vmem_shared>>) dst(%dma_wait3A_38 : memref<640xf32, #tpu.memory_space<hbm>>)
      tpu.yield
    }) : () -> ()
    return
  }
}

#map = affine_map<(d0, d1) -> (0, 0)>
#map1 = affine_map<(d0, d1) -> (0, 0, 0)>
module attributes {stable_mosaic.version = 14 : i64} {
  func.func @scat_kernel(%arg0: i32, %arg1: i32, %arg2: memref<10000x128xf32, #tpu.memory_space<hbm>>, %arg3: memref<32x79x128xi32, #tpu.memory_space<hbm>>, %arg4: memref<32x79x128xi32, #tpu.memory_space<hbm>>, %arg5: memref<2x10240x128xf32, #tpu.memory_space<hbm>>, %arg6: memref<79x128xi32, #tpu.memory_space<vmem>>, %arg7: memref<79x128xi32, #tpu.memory_space<vmem>>, %arg8: memref<128x128xf32, #tpu.memory_space<vmem>>, %arg9: memref<10240x128xf32, #tpu.memory_space<vmem_shared>>, %arg10: memref<!tpu.dma_semaphore, #tpu.memory_space<semaphore_mem>>) attributes {dimension_semantics = [#tpu.dimension_semantics<core_parallel>, #tpu.dimension_semantics<subcore_parallel>], iteration_bounds = array<i64: 2, 16>, scalar_prefetch = 0 : i64, scratch_operands = 5 : i64, tpu.core_type = #tpu.core_type<sc_vector_subcore>, window_params = [{transform_indices = #map}, {transform_indices = #map1}, {transform_indices = #map1}, {transform_indices = #map1}]} {
    %mul3A = arith.constant 16 : i32
    %mul3A_0 = arith.muli %arg0, %mul3A : i32
    %add3A = arith.addi %mul3A_0, %arg1 : i32
    %scan3A = arith.constant 0 : i32
    %scan3A_1 = arith.constant 0 : i32
    %scan3A_2 = arith.constant 1024 : i32
    %scan3A_3 = arith.addi %scan3A_1, %scan3A_2 : i32
    %scan3A_4 = arith.constant 1 : i32
    %scan3A_5 = scf.for %scan3A_39 = %scan3A_1 to %scan3A_3 step %scan3A_4 iter_args(%scan3A_40 = %scan3A) -> (i32)  : i32 {
      %broadcast_in_dim3A = arith.constant 0.000000e+00 : f32
      %broadcast_in_dim3A_41 = vector.broadcast %broadcast_in_dim3A : f32 to vector<16xf32>
      %jit3A = arith.constant 8 : i32
      %div3A = arith.divsi %scan3A_39, %jit3A : i32
      %sign3A = arith.constant 0 : i32
      %sign3A_42 = arith.cmpi sgt, %scan3A_39, %sign3A : i32
      %sign3A_43 = arith.extui %sign3A_42 : i1 to i32
      %sign3A_44 = arith.constant 0 : i32
      %sign3A_45 = arith.cmpi slt, %scan3A_39, %sign3A_44 : i32
      %sign3A_46 = arith.extui %sign3A_45 : i1 to i32
      %sign3A_47 = arith.subi %sign3A_43, %sign3A_46 : i32
      %sign3A_48 = arith.constant 0 : i32
      %sign3A_49 = arith.cmpi sgt, %jit3A, %sign3A_48 : i32
      %sign3A_50 = arith.extui %sign3A_49 : i1 to i32
      %sign3A_51 = arith.constant 0 : i32
      %sign3A_52 = arith.cmpi slt, %jit3A, %sign3A_51 : i32
      %sign3A_53 = arith.extui %sign3A_52 : i1 to i32
      %sign3A_54 = arith.subi %sign3A_50, %sign3A_53 : i32
      %ne3A = arith.cmpi ne, %sign3A_47, %sign3A_54 : i32
      %rem3A = arith.remsi %scan3A_39, %jit3A : i32
      %ne3A_55 = arith.constant 0 : i32
      %ne3A_56 = arith.cmpi ne, %rem3A, %ne3A_55 : i32
      %and3A = arith.andi %ne3A, %ne3A_56 : i1
      %sub3A = arith.constant 1 : i32
      %sub3A_57 = arith.subi %div3A, %sub3A : i32
      %select_n3A = arith.select %and3A, %sub3A_57, %div3A : i32
      %jit3A_58 = arith.constant 8 : i32
      %eq3A = arith.constant 0 : i32
      %eq3A_59 = arith.cmpi eq, %jit3A_58, %eq3A : i32
      %jit3A_60 = arith.constant 1 : i32
      %select_n3A_61 = arith.select %eq3A_59, %jit3A_60, %jit3A_58 : i32
      %rem3A_62 = arith.remsi %scan3A_39, %select_n3A_61 : i32
      %ne3A_63 = arith.constant 0 : i32
      %ne3A_64 = arith.cmpi ne, %rem3A_62, %ne3A_63 : i32
      %lt3A = arith.constant 0 : i32
      %lt3A_65 = arith.cmpi slt, %rem3A_62, %lt3A : i32
      %lt3A_66 = arith.constant 0 : i32
      %lt3A_67 = arith.cmpi slt, %select_n3A_61, %lt3A_66 : i32
      %ne3A_68 = arith.xori %lt3A_65, %lt3A_67 : i1
      %and3A_69 = arith.andi %ne3A_68, %ne3A_64 : i1
      %add3A_70 = arith.addi %rem3A_62, %select_n3A_61 : i32
      %select_n3A_71 = arith.select %and3A_69, %add3A_70, %rem3A_62 : i32
      %mul3A_72 = arith.constant 16 : i32
      %mul3A_73 = arith.muli %select_n3A_71, %mul3A_72 : i32
      %swap3A = arith.index_cast %select_n3A : i32 to index
      %swap3A_74 = arith.index_cast %mul3A_73 : i32 to index
      %swap3A_75 = tpu.vector_load %arg8[%swap3A, %swap3A_74] {strides = array<i32>} : memref<128x128xf32, #tpu.memory_space<vmem>>, vector<1x16xf32>,
      %swap3A_76 = vector.shape_cast %swap3A_75 : vector<1x16xf32> to vector<16xf32>
      %swap3A_77 = vector.shape_cast %broadcast_in_dim3A_41 : vector<16xf32> to vector<1x16xf32>
      tpu.vector_store %arg8[%swap3A, %swap3A_74], %swap3A_77 {strides = array<i32>} : memref<128x128xf32, #tpu.memory_space<vmem>>, vector<1x16xf32>,
      %scan3A_78 = arith.constant 0 : i32
      scf.yield %scan3A_78 : i32
    }
    %scan3A_6 = arith.constant 1024 : i32
    %mul3A_7 = arith.constant 640 : i32
    %mul3A_8 = arith.muli %arg1, %mul3A_7 : i32
    %add3A_9 = arith.constant 0 : i32
    %add3A_10 = arith.addi %mul3A_8, %add3A_9 : i32
    "tpu.region"() ({
      %run_scoped3A = tpu.sem_alloc : memref<!tpu.dma_semaphore, #tpu.memory_space<semaphore_mem>>
      %dma_start3A = arith.constant 0 : i32
      %dma_start3A_39 = tpu.memref_slice %arg9[%add3A_10, %dma_start3A] : memref<10240x128xf32, #tpu.memory_space<vmem_shared>> -> memref<128x128xf32, #tpu.memory_space<vmem_shared>>
      %dma_start3A_40 = arith.constant 0 : i32
      %dma_start3A_41 = tpu.memref_slice %arg9[%add3A_10, %dma_start3A_40] : memref<10240x128xf32, #tpu.memory_space<vmem_shared>> -> memref<128x128xf32, #tpu.memory_space<vmem_shared>>
      tpu.enqueue_dma source(%arg8 : memref<128x128xf32, #tpu.memory_space<vmem>>) target(%dma_start3A_41 : memref<128x128xf32, #tpu.memory_space<vmem_shared>>) target_semaphore(%run_scoped3A : memref<!tpu.dma_semaphore, #tpu.memory_space<semaphore_mem>>)
      %dma_wait3A = arith.constant 0 : i32
      %dma_wait3A_42 = tpu.memref_slice %arg9[%add3A_10, %dma_wait3A] : memref<10240x128xf32, #tpu.memory_space<vmem_shared>> -> memref<128x128xf32, #tpu.memory_space<vmem_shared>>
      %dma_wait3A_43 = arith.constant 0 : i32
      %dma_wait3A_44 = tpu.memref_slice %arg9[%add3A_10, %dma_wait3A_43] : memref<10240x128xf32, #tpu.memory_space<vmem_shared>> -> memref<128x128xf32, #tpu.memory_space<vmem_shared>>
      tpu.wait_dma2 semaphore(%run_scoped3A : memref<!tpu.dma_semaphore, #tpu.memory_space<semaphore_mem>>) src(%arg8 : memref<128x128xf32, #tpu.memory_space<vmem>>) dst(%dma_wait3A_44 : memref<128x128xf32, #tpu.memory_space<vmem_shared>>)
      tpu.yield
    }) : () -> ()
    %mul3A_11 = arith.constant 640 : i32
    %mul3A_12 = arith.muli %arg1, %mul3A_11 : i32
    %add3A_13 = arith.constant 128 : i32
    %add3A_14 = arith.addi %mul3A_12, %add3A_13 : i32
    "tpu.region"() ({
      %run_scoped3A = tpu.sem_alloc : memref<!tpu.dma_semaphore, #tpu.memory_space<semaphore_mem>>
      %dma_start3A = arith.constant 0 : i32
      %dma_start3A_39 = tpu.memref_slice %arg9[%add3A_14, %dma_start3A] : memref<10240x128xf32, #tpu.memory_space<vmem_shared>> -> memref<128x128xf32, #tpu.memory_space<vmem_shared>>
      %dma_start3A_40 = arith.constant 0 : i32
      %dma_start3A_41 = tpu.memref_slice %arg9[%add3A_14, %dma_start3A_40] : memref<10240x128xf32, #tpu.memory_space<vmem_shared>> -> memref<128x128xf32, #tpu.memory_space<vmem_shared>>
      tpu.enqueue_dma source(%arg8 : memref<128x128xf32, #tpu.memory_space<vmem>>) target(%dma_start3A_41 : memref<128x128xf32, #tpu.memory_space<vmem_shared>>) target_semaphore(%run_scoped3A : memref<!tpu.dma_semaphore, #tpu.memory_space<semaphore_mem>>)
      %dma_wait3A = arith.constant 0 : i32
      %dma_wait3A_42 = tpu.memref_slice %arg9[%add3A_14, %dma_wait3A] : memref<10240x128xf32, #tpu.memory_space<vmem_shared>> -> memref<128x128xf32, #tpu.memory_space<vmem_shared>>
      %dma_wait3A_43 = arith.constant 0 : i32
      %dma_wait3A_44 = tpu.memref_slice %arg9[%add3A_14, %dma_wait3A_43] : memref<10240x128xf32, #tpu.memory_space<vmem_shared>> -> memref<128x128xf32, #tpu.memory_space<vmem_shared>>
      tpu.wait_dma2 semaphore(%run_scoped3A : memref<!tpu.dma_semaphore, #tpu.memory_space<semaphore_mem>>) src(%arg8 : memref<128x128xf32, #tpu.memory_space<vmem>>) dst(%dma_wait3A_44 : memref<128x128xf32, #tpu.memory_space<vmem_shared>>)
      tpu.yield
    }) : () -> ()
    %mul3A_15 = arith.constant 640 : i32
    %mul3A_16 = arith.muli %arg1, %mul3A_15 : i32
    %add3A_17 = arith.constant 256 : i32
    %add3A_18 = arith.addi %mul3A_16, %add3A_17 : i32
    "tpu.region"() ({
      %run_scoped3A = tpu.sem_alloc : memref<!tpu.dma_semaphore, #tpu.memory_space<semaphore_mem>>
      %dma_start3A = arith.constant 0 : i32
      %dma_start3A_39 = tpu.memref_slice %arg9[%add3A_18, %dma_start3A] : memref<10240x128xf32, #tpu.memory_space<vmem_shared>> -> memref<128x128xf32, #tpu.memory_space<vmem_shared>>
      %dma_start3A_40 = arith.constant 0 : i32
      %dma_start3A_41 = tpu.memref_slice %arg9[%add3A_18, %dma_start3A_40] : memref<10240x128xf32, #tpu.memory_space<vmem_shared>> -> memref<128x128xf32, #tpu.memory_space<vmem_shared>>
      tpu.enqueue_dma source(%arg8 : memref<128x128xf32, #tpu.memory_space<vmem>>) target(%dma_start3A_41 : memref<128x128xf32, #tpu.memory_space<vmem_shared>>) target_semaphore(%run_scoped3A : memref<!tpu.dma_semaphore, #tpu.memory_space<semaphore_mem>>)
      %dma_wait3A = arith.constant 0 : i32
      %dma_wait3A_42 = tpu.memref_slice %arg9[%add3A_18, %dma_wait3A] : memref<10240x128xf32, #tpu.memory_space<vmem_shared>> -> memref<128x128xf32, #tpu.memory_space<vmem_shared>>
      %dma_wait3A_43 = arith.constant 0 : i32
      %dma_wait3A_44 = tpu.memref_slice %arg9[%add3A_18, %dma_wait3A_43] : memref<10240x128xf32, #tpu.memory_space<vmem_shared>> -> memref<128x128xf32, #tpu.memory_space<vmem_shared>>
      tpu.wait_dma2 semaphore(%run_scoped3A : memref<!tpu.dma_semaphore, #tpu.memory_space<semaphore_mem>>) src(%arg8 : memref<128x128xf32, #tpu.memory_space<vmem>>) dst(%dma_wait3A_44 : memref<128x128xf32, #tpu.memory_space<vmem_shared>>)
      tpu.yield
    }) : () -> ()
    %mul3A_19 = arith.constant 640 : i32
    %mul3A_20 = arith.muli %arg1, %mul3A_19 : i32
    %add3A_21 = arith.constant 384 : i32
    %add3A_22 = arith.addi %mul3A_20, %add3A_21 : i32
    "tpu.region"() ({
      %run_scoped3A = tpu.sem_alloc : memref<!tpu.dma_semaphore, #tpu.memory_space<semaphore_mem>>
      %dma_start3A = arith.constant 0 : i32
      %dma_start3A_39 = tpu.memref_slice %arg9[%add3A_22, %dma_start3A] : memref<10240x128xf32, #tpu.memory_space<vmem_shared>> -> memref<128x128xf32, #tpu.memory_space<vmem_shared>>
      %dma_start3A_40 = arith.constant 0 : i32
      %dma_start3A_41 = tpu.memref_slice %arg9[%add3A_22, %dma_start3A_40] : memref<10240x128xf32, #tpu.memory_space<vmem_shared>> -> memref<128x128xf32, #tpu.memory_space<vmem_shared>>
      tpu.enqueue_dma source(%arg8 : memref<128x128xf32, #tpu.memory_space<vmem>>) target(%dma_start3A_41 : memref<128x128xf32, #tpu.memory_space<vmem_shared>>) target_semaphore(%run_scoped3A : memref<!tpu.dma_semaphore, #tpu.memory_space<semaphore_mem>>)
      %dma_wait3A = arith.constant 0 : i32
      %dma_wait3A_42 = tpu.memref_slice %arg9[%add3A_22, %dma_wait3A] : memref<10240x128xf32, #tpu.memory_space<vmem_shared>> -> memref<128x128xf32, #tpu.memory_space<vmem_shared>>
      %dma_wait3A_43 = arith.constant 0 : i32
      %dma_wait3A_44 = tpu.memref_slice %arg9[%add3A_22, %dma_wait3A_43] : memref<10240x128xf32, #tpu.memory_space<vmem_shared>> -> memref<128x128xf32, #tpu.memory_space<vmem_shared>>
      tpu.wait_dma2 semaphore(%run_scoped3A : memref<!tpu.dma_semaphore, #tpu.memory_space<semaphore_mem>>) src(%arg8 : memref<128x128xf32, #tpu.memory_space<vmem>>) dst(%dma_wait3A_44 : memref<128x128xf32, #tpu.memory_space<vmem_shared>>)
      tpu.yield
    }) : () -> ()
    %mul3A_23 = arith.constant 640 : i32
    %mul3A_24 = arith.muli %arg1, %mul3A_23 : i32
    %add3A_25 = arith.constant 512 : i32
    %add3A_26 = arith.addi %mul3A_24, %add3A_25 : i32
    "tpu.region"() ({
      %run_scoped3A = tpu.sem_alloc : memref<!tpu.dma_semaphore, #tpu.memory_space<semaphore_mem>>
      %dma_start3A = arith.constant 0 : i32
      %dma_start3A_39 = tpu.memref_slice %arg9[%add3A_26, %dma_start3A] : memref<10240x128xf32, #tpu.memory_space<vmem_shared>> -> memref<128x128xf32, #tpu.memory_space<vmem_shared>>
      %dma_start3A_40 = arith.constant 0 : i32
      %dma_start3A_41 = tpu.memref_slice %arg9[%add3A_26, %dma_start3A_40] : memref<10240x128xf32, #tpu.memory_space<vmem_shared>> -> memref<128x128xf32, #tpu.memory_space<vmem_shared>>
      tpu.enqueue_dma source(%arg8 : memref<128x128xf32, #tpu.memory_space<vmem>>) target(%dma_start3A_41 : memref<128x128xf32, #tpu.memory_space<vmem_shared>>) target_semaphore(%run_scoped3A : memref<!tpu.dma_semaphore, #tpu.memory_space<semaphore_mem>>)
      %dma_wait3A = arith.constant 0 : i32
      %dma_wait3A_42 = tpu.memref_slice %arg9[%add3A_26, %dma_wait3A] : memref<10240x128xf32, #tpu.memory_space<vmem_shared>> -> memref<128x128xf32, #tpu.memory_space<vmem_shared>>
      %dma_wait3A_43 = arith.constant 0 : i32
      %dma_wait3A_44 = tpu.memref_slice %arg9[%add3A_26, %dma_wait3A_43] : memref<10240x128xf32, #tpu.memory_space<vmem_shared>> -> memref<128x128xf32, #tpu.memory_space<vmem_shared>>
      tpu.wait_dma2 semaphore(%run_scoped3A : memref<!tpu.dma_semaphore, #tpu.memory_space<semaphore_mem>>) src(%arg8 : memref<128x128xf32, #tpu.memory_space<vmem>>) dst(%dma_wait3A_44 : memref<128x128xf32, #tpu.memory_space<vmem_shared>>)
      tpu.yield
    }) : () -> ()
    %barrier3A = arith.constant 0 : index
    tpu.barrier barrier_id(%barrier3A)
    "tpu.region"() ({
      %run_scoped3A = tpu.sem_alloc : memref<!tpu.dma_semaphore, #tpu.memory_space<semaphore_mem>>
      %dma_start3A = arith.constant 0 : i32
      %dma_start3A_39 = arith.constant 0 : i32
      %dma_start3A_40 = tpu.memref_slice %arg3[%add3A, %dma_start3A, %dma_start3A_39] : memref<32x79x128xi32, #tpu.memory_space<hbm>> -> memref<1x79x128xi32, #tpu.memory_space<hbm>>
      %dma_start3A_41 = tpu.memref_squeeze %dma_start3A_40 : memref<1x79x128xi32, #tpu.memory_space<hbm>> -> memref<79x128xi32, #tpu.memory_space<hbm>>
      %dma_start3A_42 = arith.constant 0 : i32
      %dma_start3A_43 = arith.constant 0 : i32
      %dma_start3A_44 = tpu.memref_slice %arg3[%add3A, %dma_start3A_42, %dma_start3A_43] : memref<32x79x128xi32, #tpu.memory_space<hbm>> -> memref<1x79x128xi32, #tpu.memory_space<hbm>>
      %dma_start3A_45 = tpu.memref_squeeze %dma_start3A_44 : memref<1x79x128xi32, #tpu.memory_space<hbm>> -> memref<79x128xi32, #tpu.memory_space<hbm>>
      tpu.enqueue_dma source(%dma_start3A_45 : memref<79x128xi32, #tpu.memory_space<hbm>>) target(%arg6 : memref<79x128xi32, #tpu.memory_space<vmem>>) target_semaphore(%run_scoped3A : memref<!tpu.dma_semaphore, #tpu.memory_space<semaphore_mem>>)
      %dma_wait3A = arith.constant 0 : i32
      %dma_wait3A_46 = arith.constant 0 : i32
      %dma_wait3A_47 = tpu.memref_slice %arg3[%add3A, %dma_wait3A, %dma_wait3A_46] : memref<32x79x128xi32, #tpu.memory_space<hbm>> -> memref<1x79x128xi32, #tpu.memory_space<hbm>>
      %dma_wait3A_48 = tpu.memref_squeeze %dma_wait3A_47 : memref<1x79x128xi32, #tpu.memory_space<hbm>> -> memref<79x128xi32, #tpu.memory_space<hbm>>
      %dma_wait3A_49 = arith.constant 0 : i32
      %dma_wait3A_50 = arith.constant 0 : i32
      %dma_wait3A_51 = tpu.memref_slice %arg3[%add3A, %dma_wait3A_49, %dma_wait3A_50] : memref<32x79x128xi32, #tpu.memory_space<hbm>> -> memref<1x79x128xi32, #tpu.memory_space<hbm>>
      %dma_wait3A_52 = tpu.memref_squeeze %dma_wait3A_51 : memref<1x79x128xi32, #tpu.memory_space<hbm>> -> memref<79x128xi32, #tpu.memory_space<hbm>>
      tpu.wait_dma2 semaphore(%run_scoped3A : memref<!tpu.dma_semaphore, #tpu.memory_space<semaphore_mem>>) src(%dma_wait3A_52 : memref<79x128xi32, #tpu.memory_space<hbm>>) dst(%arg6 : memref<79x128xi32, #tpu.memory_space<vmem>>)
      tpu.yield
    }) : () -> ()
    "tpu.region"() ({
      %run_scoped3A = tpu.sem_alloc : memref<!tpu.dma_semaphore, #tpu.memory_space<semaphore_mem>>
      %dma_start3A = arith.constant 0 : i32
      %dma_start3A_39 = arith.constant 0 : i32
      %dma_start3A_40 = tpu.memref_slice %arg4[%add3A, %dma_start3A, %dma_start3A_39] : memref<32x79x128xi32, #tpu.memory_space<hbm>> -> memref<1x79x128xi32, #tpu.memory_space<hbm>>
      %dma_start3A_41 = tpu.memref_squeeze %dma_start3A_40 : memref<1x79x128xi32, #tpu.memory_space<hbm>> -> memref<79x128xi32, #tpu.memory_space<hbm>>
      %dma_start3A_42 = arith.constant 0 : i32
      %dma_start3A_43 = arith.constant 0 : i32
      %dma_start3A_44 = tpu.memref_slice %arg4[%add3A, %dma_start3A_42, %dma_start3A_43] : memref<32x79x128xi32, #tpu.memory_space<hbm>> -> memref<1x79x128xi32, #tpu.memory_space<hbm>>
      %dma_start3A_45 = tpu.memref_squeeze %dma_start3A_44 : memref<1x79x128xi32, #tpu.memory_space<hbm>> -> memref<79x128xi32, #tpu.memory_space<hbm>>
      tpu.enqueue_dma source(%dma_start3A_45 : memref<79x128xi32, #tpu.memory_space<hbm>>) target(%arg7 : memref<79x128xi32, #tpu.memory_space<vmem>>) target_semaphore(%run_scoped3A : memref<!tpu.dma_semaphore, #tpu.memory_space<semaphore_mem>>)
      %dma_wait3A = arith.constant 0 : i32
      %dma_wait3A_46 = arith.constant 0 : i32
      %dma_wait3A_47 = tpu.memref_slice %arg4[%add3A, %dma_wait3A, %dma_wait3A_46] : memref<32x79x128xi32, #tpu.memory_space<hbm>> -> memref<1x79x128xi32, #tpu.memory_space<hbm>>
      %dma_wait3A_48 = tpu.memref_squeeze %dma_wait3A_47 : memref<1x79x128xi32, #tpu.memory_space<hbm>> -> memref<79x128xi32, #tpu.memory_space<hbm>>
      %dma_wait3A_49 = arith.constant 0 : i32
      %dma_wait3A_50 = arith.constant 0 : i32
      %dma_wait3A_51 = tpu.memref_slice %arg4[%add3A, %dma_wait3A_49, %dma_wait3A_50] : memref<32x79x128xi32, #tpu.memory_space<hbm>> -> memref<1x79x128xi32, #tpu.memory_space<hbm>>
      %dma_wait3A_52 = tpu.memref_squeeze %dma_wait3A_51 : memref<1x79x128xi32, #tpu.memory_space<hbm>> -> memref<79x128xi32, #tpu.memory_space<hbm>>
      tpu.wait_dma2 semaphore(%run_scoped3A : memref<!tpu.dma_semaphore, #tpu.memory_space<semaphore_mem>>) src(%dma_wait3A_52 : memref<79x128xi32, #tpu.memory_space<hbm>>) dst(%arg7 : memref<79x128xi32, #tpu.memory_space<vmem>>)
      tpu.yield
    }) : () -> ()
    %scan3A_27 = arith.constant 0 : i32
    %scan3A_28 = arith.constant 0 : i32
    %scan3A_29 = arith.constant 79 : i32
    %scan3A_30 = arith.addi %scan3A_28, %scan3A_29 : i32
    %scan3A_31 = arith.constant 1 : i32
    %scan3A_32 = scf.for %scan3A_39 = %scan3A_28 to %scan3A_30 step %scan3A_31 iter_args(%scan3A_40 = %scan3A_27) -> (i32)  : i32 {
      %dma_start3A = arith.constant 0 : i32
      %dma_start3A_41 = tpu.memref_slice %arg6[%scan3A_39, %dma_start3A] : memref<79x128xi32, #tpu.memory_space<vmem>> -> memref<1x128xi32, #tpu.memory_space<vmem>>
      %dma_start3A_42 = tpu.memref_squeeze %dma_start3A_41 : memref<1x128xi32, #tpu.memory_space<vmem>> -> memref<128xi32, #tpu.memory_space<vmem>>
      %dma_start3A_43 = arith.constant 0 : i32
      %dma_start3A_44 = arith.constant 0 : i32
      %dma_start3A_45 = tpu.memref_slice %arg2[%dma_start3A_43, %dma_start3A_44] : memref<10000x128xf32, #tpu.memory_space<hbm>> -> memref<10000x128xf32, #tpu.memory_space<hbm>>
      tpu.enqueue_indirect_dma source(%dma_start3A_45 : memref<10000x128xf32, #tpu.memory_space<hbm>>) target(%arg8 : memref<128x128xf32, #tpu.memory_space<vmem>>) offsets(%dma_start3A_42 : memref<128xi32, #tpu.memory_space<vmem>>) semaphore(%arg10 : memref<!tpu.dma_semaphore, #tpu.memory_space<semaphore_mem>>)
      %dma_wait3A = arith.constant 0 : i32
      %dma_wait3A_46 = tpu.memref_slice %arg6[%scan3A_39, %dma_wait3A] : memref<79x128xi32, #tpu.memory_space<vmem>> -> memref<1x128xi32, #tpu.memory_space<vmem>>
      %dma_wait3A_47 = tpu.memref_squeeze %dma_wait3A_46 : memref<1x128xi32, #tpu.memory_space<vmem>> -> memref<128xi32, #tpu.memory_space<vmem>>
      %dma_wait3A_48 = arith.constant 0 : i32
      %dma_wait3A_49 = arith.constant 0 : i32
      %dma_wait3A_50 = tpu.memref_slice %arg2[%dma_wait3A_48, %dma_wait3A_49] : memref<10000x128xf32, #tpu.memory_space<hbm>> -> memref<10000x128xf32, #tpu.memory_space<hbm>>
      tpu.wait_indirect_dma semaphore(%arg10 : memref<!tpu.dma_semaphore, #tpu.memory_space<semaphore_mem>>) src(%dma_wait3A_50 : memref<10000x128xf32, #tpu.memory_space<hbm>>) dst(%arg8 : memref<128x128xf32, #tpu.memory_space<vmem>>)
      "tpu.region"() ({
        %run_scoped3A = tpu.sem_alloc : memref<!tpu.dma_semaphore, #tpu.memory_space<semaphore_mem>>
        %dma_start3A_52 = arith.constant 0 : i32
        %dma_start3A_53 = tpu.memref_slice %arg7[%scan3A_39, %dma_start3A_52] : memref<79x128xi32, #tpu.memory_space<vmem>> -> memref<1x128xi32, #tpu.memory_space<vmem>>
        %dma_start3A_54 = tpu.memref_squeeze %dma_start3A_53 : memref<1x128xi32, #tpu.memory_space<vmem>> -> memref<128xi32, #tpu.memory_space<vmem>>
        %dma_start3A_55 = arith.constant 0 : i32
        %dma_start3A_56 = arith.constant 0 : i32
        %dma_start3A_57 = tpu.memref_slice %arg9[%dma_start3A_55, %dma_start3A_56] : memref<10240x128xf32, #tpu.memory_space<vmem_shared>> -> memref<10240x128xf32, #tpu.memory_space<vmem_shared>>
        tpu.enqueue_indirect_dma source(%arg8 : memref<128x128xf32, #tpu.memory_space<vmem>>) target(%dma_start3A_57 : memref<10240x128xf32, #tpu.memory_space<vmem_shared>>) offsets(%dma_start3A_54 : memref<128xi32, #tpu.memory_space<vmem>>) semaphore(%run_scoped3A : memref<!tpu.dma_semaphore, #tpu.memory_space<semaphore_mem>>) {add = true}
        %dma_wait3A_58 = arith.constant 0 : i32
        %dma_wait3A_59 = tpu.memref_slice %arg7[%scan3A_39, %dma_wait3A_58] : memref<79x128xi32, #tpu.memory_space<vmem>> -> memref<1x128xi32, #tpu.memory_space<vmem>>
        %dma_wait3A_60 = tpu.memref_squeeze %dma_wait3A_59 : memref<1x128xi32, #tpu.memory_space<vmem>> -> memref<128xi32, #tpu.memory_space<vmem>>
        %dma_wait3A_61 = arith.constant 0 : i32
        %dma_wait3A_62 = arith.constant 0 : i32
        %dma_wait3A_63 = tpu.memref_slice %arg9[%dma_wait3A_61, %dma_wait3A_62] : memref<10240x128xf32, #tpu.memory_space<vmem_shared>> -> memref<10240x128xf32, #tpu.memory_space<vmem_shared>>
        tpu.wait_indirect_dma semaphore(%run_scoped3A : memref<!tpu.dma_semaphore, #tpu.memory_space<semaphore_mem>>) src(%arg8 : memref<128x128xf32, #tpu.memory_space<vmem>>) dst(%dma_wait3A_63 : memref<10240x128xf32, #tpu.memory_space<vmem_shared>>)
        tpu.yield
      }) : () -> ()
      %scan3A_51 = arith.constant 0 : i32
      scf.yield %scan3A_51 : i32
    }
    %scan3A_33 = arith.constant 79 : i32
    %barrier3A_34 = arith.constant 0 : index
    tpu.barrier barrier_id(%barrier3A_34)
    %mul3A_35 = arith.constant 640 : i32
    %mul3A_36 = arith.muli %arg1, %mul3A_35 : i32
    %mul3A_37 = arith.constant 640 : i32
    %mul3A_38 = arith.muli %arg1, %mul3A_37 : i32
    "tpu.region"() ({
      %run_scoped3A = tpu.sem_alloc : memref<!tpu.dma_semaphore, #tpu.memory_space<semaphore_mem>>
      %dma_start3A = arith.constant 0 : i32
      %dma_start3A_39 = tpu.memref_slice %arg5[%arg0, %mul3A_38, %dma_start3A] : memref<2x10240x128xf32, #tpu.memory_space<hbm>> -> memref<1x640x128xf32, #tpu.memory_space<hbm>>
      %dma_start3A_40 = tpu.memref_squeeze %dma_start3A_39 : memref<1x640x128xf32, #tpu.memory_space<hbm>> -> memref<640x128xf32, #tpu.memory_space<hbm>>
      %dma_start3A_41 = arith.constant 0 : i32
      %dma_start3A_42 = tpu.memref_slice %arg9[%mul3A_36, %dma_start3A_41] : memref<10240x128xf32, #tpu.memory_space<vmem_shared>> -> memref<640x128xf32, #tpu.memory_space<vmem_shared>>
      tpu.enqueue_dma source(%dma_start3A_42 : memref<640x128xf32, #tpu.memory_space<vmem_shared>>) target(%dma_start3A_40 : memref<640x128xf32, #tpu.memory_space<hbm>>) target_semaphore(%run_scoped3A : memref<!tpu.dma_semaphore, #tpu.memory_space<semaphore_mem>>)
      %dma_wait3A = arith.constant 0 : i32
      %dma_wait3A_43 = tpu.memref_slice %arg5[%arg0, %mul3A_38, %dma_wait3A] : memref<2x10240x128xf32, #tpu.memory_space<hbm>> -> memref<1x640x128xf32, #tpu.memory_space<hbm>>
      %dma_wait3A_44 = tpu.memref_squeeze %dma_wait3A_43 : memref<1x640x128xf32, #tpu.memory_space<hbm>> -> memref<640x128xf32, #tpu.memory_space<hbm>>
      %dma_wait3A_45 = arith.constant 0 : i32
      %dma_wait3A_46 = tpu.memref_slice %arg9[%mul3A_36, %dma_wait3A_45] : memref<10240x128xf32, #tpu.memory_space<vmem_shared>> -> memref<640x128xf32, #tpu.memory_space<vmem_shared>>
      tpu.wait_dma2 semaphore(%run_scoped3A : memref<!tpu.dma_semaphore, #tpu.memory_space<semaphore_mem>>) src(%dma_wait3A_46 : memref<640x128xf32, #tpu.memory_space<vmem_shared>>) dst(%dma_wait3A_44 : memref<640x128xf32, #tpu.memory_space<hbm>>)
      tpu.yield
    }) : () -> ()
    return
  }
}

module attributes {stable_mosaic.version = 14 : i64} {
  func.func @body(%arg0: i32, %arg1: memref<2000x128xf32, #tpu.memory_space<vmem>>, %arg2: memref<128x128xf32, #tpu.memory_space<vmem>>, %arg3: memref<2x2000x1xf32, #tpu.memory_space<vmem>>, %arg4: memref<2000x128xf32, #tpu.memory_space<vmem>>) attributes {dimension_semantics = [#tpu.dimension_semantics<arbitrary>], iteration_bounds = array<i64: 5>, scalar_prefetch = 0 : i64, scratch_operands = 0 : i64, tpu.core_type = #tpu.core_type<tc>, window_params = [{transform_indices = @transform_0, window_bounds = array<i64: 2000, 128>}, {pipeline_mode = #tpu.pipeline_mode<synchronous>, transform_indices = @transform_1, window_bounds = array<i64: 128, 128>}, {transform_indices = @transform_2, window_bounds = array<i64: 2, 2000, 1>}, {transform_indices = @transform_3, window_bounds = array<i64: 2000, 128>}]} {
    %get3A = arith.constant 0 : index
    %get3A_0 = arith.constant 0 : index
    %get3A_1 = vector.load %arg1[%get3A, %get3A_0] : memref<2000x128xf32, #tpu.memory_space<vmem>>, vector<2000x128xf32>
    %get3A_2 = arith.constant 0 : index
    %get3A_3 = arith.constant 0 : index
    %get3A_4 = vector.load %arg2[%get3A_2, %get3A_3] : memref<128x128xf32, #tpu.memory_space<vmem>>, vector<128x128xf32>
    %dot_general3A = arith.constant dense<0.000000e+00> : vector<2000x128xf32>
    %dot_general3A_5 = tpu.matmul %get3A_1, %get3A_4, %dot_general3A {dimension_numbers = #tpu.dot_dimension_numbers<[1], [0], [0], [1], [0, 0, 1, 1], [], []>, transpose_lhs_hint = false} : vector<2000x128xf32>, vector<128x128xf32>, vector<2000x128xf32> -> vector<2000x128xf32>
    %get3A_6 = arith.constant 0 : index
    %get3A_7 = arith.constant 0 : index
    %get3A_8 = arith.constant 0 : index
    %get3A_9 = vector.load %arg3[%get3A_6, %get3A_7, %get3A_8] : memref<2x2000x1xf32, #tpu.memory_space<vmem>>, vector<1x2000x1xf32>
    %get3A_10 = vector.shape_cast %get3A_9 : vector<1x2000x1xf32> to vector<2000x1xf32>
    %get3A_11 = arith.constant 1 : index
    %get3A_12 = arith.constant 0 : index
    %get3A_13 = arith.constant 0 : index
    %get3A_14 = vector.load %arg3[%get3A_11, %get3A_12, %get3A_13] : memref<2x2000x1xf32, #tpu.memory_space<vmem>>, vector<1x2000x1xf32>
    %get3A_15 = vector.shape_cast %get3A_14 : vector<1x2000x1xf32> to vector<2000x1xf32>
    %add3A = arith.addf %get3A_10, %get3A_15 : vector<2000x1xf32>
    %add3A_16 = arith.constant 1.000000e+00 : f32
    %add3A_17 = vector.broadcast %add3A_16 : f32 to vector<2000x1xf32>
    %add3A_18 = arith.addf %add3A, %add3A_17 : vector<2000x1xf32>
    %rsqrt3A = math.rsqrt %add3A_18 : vector<2000x1xf32>
    %mul3A = vector.broadcast %rsqrt3A : vector<2000x1xf32> to vector<2000x128xf32>
    %mul3A_19 = arith.mulf %dot_general3A_5, %mul3A : vector<2000x128xf32>
    %swap3A = arith.constant 0 : index
    %swap3A_20 = arith.constant 0 : index
    %swap3A_21 = vector.load %arg4[%swap3A, %swap3A_20] : memref<2000x128xf32, #tpu.memory_space<vmem>>, vector<2000x128xf32>
    tpu.vector_store %arg4[%swap3A, %swap3A_20], %mul3A_19 {strides = array<i32>} : memref<2000x128xf32, #tpu.memory_space<vmem>>, vector<2000x128xf32>,
    return
  }
  func.func @transform_0(%arg0: i32) -> (i32, i32) {
    %c0_i32 = arith.constant 0 : i32
    %c0_i32_0 = arith.constant 0 : i32
    return %arg0, %c0_i32 : i32, i32
  }
  func.func @transform_1(%arg0: i32) -> (i32, i32) {
    %c0_i32 = arith.constant 0 : i32
    %c0_i32_0 = arith.constant 0 : i32
    %c0_i32_1 = arith.constant 0 : i32
    return %c0_i32, %c0_i32_0 : i32, i32
  }
  func.func @transform_2(%arg0: i32) -> (i32, i32, i32) {
    %c0_i32 = arith.constant 0 : i32
    %c0_i32_0 = arith.constant 0 : i32
    %c0_i32_1 = arith.constant 0 : i32
    return %c0_i32, %arg0, %c0_i32_0 : i32, i32, i32
  }
  func.func @transform_3(%arg0: i32) -> (i32, i32) {
    %c0_i32 = arith.constant 0 : i32
    %c0_i32_0 = arith.constant 0 : i32
    return %arg0, %c0_i32 : i32, i32
  }
}

module attributes {stable_mosaic.version = 14 : i64} {
  func.func @body(%arg0: i32, %arg1: memref<2x2000x128xf32, #tpu.memory_space<vmem>>, %arg2: memref<2000x128xf32, #tpu.memory_space<vmem>>, %arg3: memref<2x2000x1xf32, #tpu.memory_space<vmem>>, %arg4: memref<1x128xf32, #tpu.memory_space<vmem>>, %arg5: memref<128x256xf32, #tpu.memory_space<vmem>>, %arg6: memref<1x256xf32, #tpu.memory_space<vmem>>, %arg7: memref<256x128xf32, #tpu.memory_space<vmem>>, %arg8: memref<1x128xf32, #tpu.memory_space<vmem>>, %arg9: memref<128x10xf32, #tpu.memory_space<vmem>>, %arg10: memref<1x10xf32, #tpu.memory_space<vmem>>, %arg11: memref<1x10xf32, #tpu.memory_space<vmem>>, %arg12: memref<1x128xf32, #tpu.memory_space<vmem>>) attributes {dimension_semantics = [#tpu.dimension_semantics<arbitrary>], iteration_bounds = array<i64: 5>, scalar_prefetch = 0 : i64, scratch_operands = 1 : i64, tpu.core_type = #tpu.core_type<tc>, window_params = [{transform_indices = @transform_0, window_bounds = array<i64: 2, 2000, 128>}, {transform_indices = @transform_1, window_bounds = array<i64: 2000, 128>}, {transform_indices = @transform_2, window_bounds = array<i64: 2, 2000, 1>}, {pipeline_mode = #tpu.pipeline_mode<synchronous>, transform_indices = @transform_3, window_bounds = array<i64: 1, 128>}, {pipeline_mode = #tpu.pipeline_mode<synchronous>, transform_indices = @transform_4, window_bounds = array<i64: 128, 256>}, {pipeline_mode = #tpu.pipeline_mode<synchronous>, transform_indices = @transform_5, window_bounds = array<i64: 1, 256>}, {pipeline_mode = #tpu.pipeline_mode<synchronous>, transform_indices = @transform_6, window_bounds = array<i64: 256, 128>}, {pipeline_mode = #tpu.pipeline_mode<synchronous>, transform_indices = @transform_7, window_bounds = array<i64: 1, 128>}, {pipeline_mode = #tpu.pipeline_mode<synchronous>, transform_indices = @transform_8, window_bounds = array<i64: 128, 10>}, {pipeline_mode = #tpu.pipeline_mode<synchronous>, transform_indices = @transform_9, window_bounds = array<i64: 1, 10>}, {pipeline_mode = #tpu.pipeline_mode<synchronous>, transform_indices = @transform_10, window_bounds = array<i64: 1, 10>}]} {
    %get3A = arith.constant 0 : index
    %get3A_0 = arith.constant 0 : index
    %get3A_1 = arith.constant 0 : index
    %get3A_2 = vector.load %arg1[%get3A, %get3A_0, %get3A_1] : memref<2x2000x128xf32, #tpu.memory_space<vmem>>, vector<1x2000x128xf32>
    %get3A_3 = vector.shape_cast %get3A_2 : vector<1x2000x128xf32> to vector<2000x128xf32>
    %get3A_4 = arith.constant 1 : index
    %get3A_5 = arith.constant 0 : index
    %get3A_6 = arith.constant 0 : index
    %get3A_7 = vector.load %arg1[%get3A_4, %get3A_5, %get3A_6] : memref<2x2000x128xf32, #tpu.memory_space<vmem>>, vector<1x2000x128xf32>
    %get3A_8 = vector.shape_cast %get3A_7 : vector<1x2000x128xf32> to vector<2000x128xf32>
    %add3A = arith.addf %get3A_3, %get3A_8 : vector<2000x128xf32>
    %get3A_9 = arith.constant 0 : index
    %get3A_10 = arith.constant 0 : index
    %get3A_11 = vector.load %arg2[%get3A_9, %get3A_10] : memref<2000x128xf32, #tpu.memory_space<vmem>>, vector<2000x128xf32>
    %add3A_12 = arith.addf %add3A, %get3A_11 : vector<2000x128xf32>
    %get3A_13 = arith.constant 0 : index
    %get3A_14 = arith.constant 0 : index
    %get3A_15 = arith.constant 0 : index
    %get3A_16 = vector.load %arg3[%get3A_13, %get3A_14, %get3A_15] : memref<2x2000x1xf32, #tpu.memory_space<vmem>>, vector<1x2000x1xf32>
    %get3A_17 = vector.shape_cast %get3A_16 : vector<1x2000x1xf32> to vector<2000x1xf32>
    %get3A_18 = arith.constant 1 : index
    %get3A_19 = arith.constant 0 : index
    %get3A_20 = arith.constant 0 : index
    %get3A_21 = vector.load %arg3[%get3A_18, %get3A_19, %get3A_20] : memref<2x2000x1xf32, #tpu.memory_space<vmem>>, vector<1x2000x1xf32>
    %get3A_22 = vector.shape_cast %get3A_21 : vector<1x2000x1xf32> to vector<2000x1xf32>
    %add3A_23 = arith.addf %get3A_17, %get3A_22 : vector<2000x1xf32>
    %add3A_24 = arith.constant 1.000000e+00 : f32
    %add3A_25 = vector.broadcast %add3A_24 : f32 to vector<2000x1xf32>
    %add3A_26 = arith.addf %add3A_23, %add3A_25 : vector<2000x1xf32>
    %rsqrt3A = math.rsqrt %add3A_26 : vector<2000x1xf32>
    %mul3A = vector.broadcast %rsqrt3A : vector<2000x1xf32> to vector<2000x128xf32>
    %mul3A_27 = arith.mulf %add3A_12, %mul3A : vector<2000x128xf32>
    %get3A_28 = arith.constant 0 : index
    %get3A_29 = arith.constant 0 : index
    %get3A_30 = vector.load %arg4[%get3A_28, %get3A_29] : memref<1x128xf32, #tpu.memory_space<vmem>>, vector<1x128xf32>
    %add3A_31 = vector.broadcast %get3A_30 : vector<1x128xf32> to vector<2000x128xf32>
    %add3A_32 = arith.addf %mul3A_27, %add3A_31 : vector<2000x128xf32>
    %max3A = arith.constant 0.000000e+00 : f32
    %max3A_33 = vector.broadcast %max3A : f32 to vector<2000x128xf32>
    %max3A_34 = arith.maximumf %add3A_32, %max3A_33 : vector<2000x128xf32>
    %reduce_max3A = arith.constant dense<0xFF800000> : vector<128xf32>
    %reduce_max3A_35 = vector.multi_reduction <maximumf>, %max3A_34, %reduce_max3A [0] : vector<2000x128xf32> to vector<128xf32>
    %broadcast_in_dim3A = vector.shape_cast %reduce_max3A_35 : vector<128xf32> to vector<1x128xf32>
    %eq3A = arith.constant 0 : i32
    %eq3A_36 = arith.cmpi eq, %arg0, %eq3A : i32
    %convert_element_type3A = arith.extui %eq3A_36 : i1 to i32
    %cond3A = arith.constant 0 : i32
    %cond3A_37 = arith.cmpi ne, %convert_element_type3A, %cond3A : i32
    scf.if %cond3A_37 {
      %swap3A = arith.constant 0 : index
      %swap3A_47 = arith.constant 0 : index
      %swap3A_48 = vector.load %arg12[%swap3A, %swap3A_47] : memref<1x128xf32, #tpu.memory_space<vmem>>, vector<1x128xf32>
      tpu.vector_store %arg12[%swap3A, %swap3A_47], %broadcast_in_dim3A {strides = array<i32>} : memref<1x128xf32, #tpu.memory_space<vmem>>, vector<1x128xf32>,
    } else {
    }
    %gt3A = arith.constant 0 : i32
    %gt3A_38 = arith.cmpi sgt, %arg0, %gt3A : i32
    %convert_element_type3A_39 = arith.extui %gt3A_38 : i1 to i32
    %cond3A_40 = arith.constant 0 : i32
    %cond3A_41 = arith.cmpi ne, %convert_element_type3A_39, %cond3A_40 : i32
    scf.if %cond3A_41 {
      %get3A_47 = arith.constant 0 : index
      %get3A_48 = arith.constant 0 : index
      %get3A_49 = vector.load %arg12[%get3A_47, %get3A_48] : memref<1x128xf32, #tpu.memory_space<vmem>>, vector<1x128xf32>
      %max3A_50 = arith.maximumf %get3A_49, %broadcast_in_dim3A : vector<1x128xf32>
      %swap3A = arith.constant 0 : index
      %swap3A_51 = arith.constant 0 : index
      %swap3A_52 = vector.load %arg12[%swap3A, %swap3A_51] : memref<1x128xf32, #tpu.memory_space<vmem>>, vector<1x128xf32>
      tpu.vector_store %arg12[%swap3A, %swap3A_51], %max3A_50 {strides = array<i32>} : memref<1x128xf32, #tpu.memory_space<vmem>>, vector<1x128xf32>,
    } else {
    }
    %eq3A_42 = arith.constant 4 : i32
    %eq3A_43 = arith.cmpi eq, %arg0, %eq3A_42 : i32
    %convert_element_type3A_44 = arith.extui %eq3A_43 : i1 to i32
    %cond3A_45 = arith.constant 0 : i32
    %cond3A_46 = arith.cmpi ne, %convert_element_type3A_44, %cond3A_45 : i32
    scf.if %cond3A_46 {
      %get3A_47 = arith.constant 0 : index
      %get3A_48 = arith.constant 0 : index
      %get3A_49 = vector.load %arg12[%get3A_47, %get3A_48] : memref<1x128xf32, #tpu.memory_space<vmem>>, vector<1x128xf32>
      %get3A_50 = arith.constant 0 : index
      %get3A_51 = arith.constant 0 : index
      %get3A_52 = vector.load %arg5[%get3A_50, %get3A_51] : memref<128x256xf32, #tpu.memory_space<vmem>>, vector<128x256xf32>
      %dot_general3A = arith.constant dense<0.000000e+00> : vector<1x256xf32>
      %dot_general3A_53 = tpu.matmul %get3A_49, %get3A_52, %dot_general3A {dimension_numbers = #tpu.dot_dimension_numbers<[1], [0], [0], [1], [0, 0, 1, 1], [], []>, transpose_lhs_hint = false} : vector<1x128xf32>, vector<128x256xf32>, vector<1x256xf32> -> vector<1x256xf32>
      %get3A_54 = arith.constant 0 : index
      %get3A_55 = arith.constant 0 : index
      %get3A_56 = vector.load %arg6[%get3A_54, %get3A_55] : memref<1x256xf32, #tpu.memory_space<vmem>>, vector<1x256xf32>
      %add3A_57 = arith.addf %dot_general3A_53, %get3A_56 : vector<1x256xf32>
      %max3A_58 = arith.constant 0.000000e+00 : f32
      %max3A_59 = vector.broadcast %max3A_58 : f32 to vector<1x256xf32>
      %max3A_60 = arith.maximumf %add3A_57, %max3A_59 : vector<1x256xf32>
      %get3A_61 = arith.constant 0 : index
      %get3A_62 = arith.constant 0 : index
      %get3A_63 = vector.load %arg7[%get3A_61, %get3A_62] : memref<256x128xf32, #tpu.memory_space<vmem>>, vector<256x128xf32>
      %dot_general3A_64 = arith.constant dense<0.000000e+00> : vector<1x128xf32>
      %dot_general3A_65 = tpu.matmul %max3A_60, %get3A_63, %dot_general3A_64 {dimension_numbers = #tpu.dot_dimension_numbers<[1], [0], [0], [1], [0, 0, 1, 1], [], []>, transpose_lhs_hint = false} : vector<1x256xf32>, vector<256x128xf32>, vector<1x128xf32> -> vector<1x128xf32>
      %get3A_66 = arith.constant 0 : index
      %get3A_67 = arith.constant 0 : index
      %get3A_68 = vector.load %arg8[%get3A_66, %get3A_67] : memref<1x128xf32, #tpu.memory_space<vmem>>, vector<1x128xf32>
      %add3A_69 = arith.addf %dot_general3A_65, %get3A_68 : vector<1x128xf32>
      %max3A_70 = arith.constant 0.000000e+00 : f32
      %max3A_71 = vector.broadcast %max3A_70 : f32 to vector<1x128xf32>
      %max3A_72 = arith.maximumf %add3A_69, %max3A_71 : vector<1x128xf32>
      %get3A_73 = arith.constant 0 : index
      %get3A_74 = arith.constant 0 : index
      %get3A_75 = vector.load %arg9[%get3A_73, %get3A_74] : memref<128x10xf32, #tpu.memory_space<vmem>>, vector<128x10xf32>
      %dot_general3A_76 = arith.constant dense<0.000000e+00> : vector<1x10xf32>
      %dot_general3A_77 = tpu.matmul %max3A_72, %get3A_75, %dot_general3A_76 {dimension_numbers = #tpu.dot_dimension_numbers<[1], [0], [0], [1], [0, 0, 1, 1], [], []>, transpose_lhs_hint = false} : vector<1x128xf32>, vector<128x10xf32>, vector<1x10xf32> -> vector<1x10xf32>
      %get3A_78 = arith.constant 0 : index
      %get3A_79 = arith.constant 0 : index
      %get3A_80 = vector.load %arg10[%get3A_78, %get3A_79] : memref<1x10xf32, #tpu.memory_space<vmem>>, vector<1x10xf32>
      %add3A_81 = arith.addf %dot_general3A_77, %get3A_80 : vector<1x10xf32>
      %swap3A = arith.constant 0 : index
      %swap3A_82 = arith.constant 0 : index
      %swap3A_83 = vector.load %arg11[%swap3A, %swap3A_82] : memref<1x10xf32, #tpu.memory_space<vmem>>, vector<1x10xf32>
      tpu.vector_store %arg11[%swap3A, %swap3A_82], %add3A_81 {strides = array<i32>} : memref<1x10xf32, #tpu.memory_space<vmem>>, vector<1x10xf32>,
    } else {
    }
    return
  }
  func.func @transform_0(%arg0: i32) -> (i32, i32, i32) {
    %c0_i32 = arith.constant 0 : i32
    %c0_i32_0 = arith.constant 0 : i32
    %c0_i32_1 = arith.constant 0 : i32
    return %c0_i32, %arg0, %c0_i32_0 : i32, i32, i32
  }
  func.func @transform_1(%arg0: i32) -> (i32, i32) {
    %c0_i32 = arith.constant 0 : i32
    %c0_i32_0 = arith.constant 0 : i32
    return %arg0, %c0_i32 : i32, i32
  }
  func.func @transform_2(%arg0: i32) -> (i32, i32, i32) {
    %c0_i32 = arith.constant 0 : i32
    %c0_i32_0 = arith.constant 0 : i32
    %c0_i32_1 = arith.constant 0 : i32
    return %c0_i32, %arg0, %c0_i32_0 : i32, i32, i32
  }
  func.func @transform_3(%arg0: i32) -> (i32, i32) {
    %c0_i32 = arith.constant 0 : i32
    %c0_i32_0 = arith.constant 0 : i32
    %c0_i32_1 = arith.constant 0 : i32
    return %c0_i32, %c0_i32_0 : i32, i32
  }
  func.func @transform_4(%arg0: i32) -> (i32, i32) {
    %c0_i32 = arith.constant 0 : i32
    %c0_i32_0 = arith.constant 0 : i32
    %c0_i32_1 = arith.constant 0 : i32
    return %c0_i32, %c0_i32_0 : i32, i32
  }
  func.func @transform_5(%arg0: i32) -> (i32, i32) {
    %c0_i32 = arith.constant 0 : i32
    %c0_i32_0 = arith.constant 0 : i32
    %c0_i32_1 = arith.constant 0 : i32
    return %c0_i32, %c0_i32_0 : i32, i32
  }
  func.func @transform_6(%arg0: i32) -> (i32, i32) {
    %c0_i32 = arith.constant 0 : i32
    %c0_i32_0 = arith.constant 0 : i32
    %c0_i32_1 = arith.constant 0 : i32
    return %c0_i32, %c0_i32_0 : i32, i32
  }
  func.func @transform_7(%arg0: i32) -> (i32, i32) {
    %c0_i32 = arith.constant 0 : i32
    %c0_i32_0 = arith.constant 0 : i32
    %c0_i32_1 = arith.constant 0 : i32
    return %c0_i32, %c0_i32_0 : i32, i32
  }
  func.func @transform_8(%arg0: i32) -> (i32, i32) {
    %c0_i32 = arith.constant 0 : i32
    %c0_i32_0 = arith.constant 0 : i32
    %c0_i32_1 = arith.constant 0 : i32
    return %c0_i32, %c0_i32_0 : i32, i32
  }
  func.func @transform_9(%arg0: i32) -> (i32, i32) {
    %c0_i32 = arith.constant 0 : i32
    %c0_i32_0 = arith.constant 0 : i32
    %c0_i32_1 = arith.constant 0 : i32
    return %c0_i32, %c0_i32_0 : i32, i32
  }
  func.func @transform_10(%arg0: i32) -> (i32, i32) {
    %c0_i32 = arith.constant 0 : i32
    %c0_i32_0 = arith.constant 0 : i32
    %c0_i32_1 = arith.constant 0 : i32
    return %c0_i32, %c0_i32_0 : i32, i32
  }
}

</mosaic_0001>

<sc_bundles>
// kernel: kernel.6.cloned.1.call-start
scs
__scs_entry_jumppad:
0x0: {  	(pc) =	sbr.rel $0x88, $3  }
0x1: {  	(tag) =	ssettag $0x0;
	lr =	simm.s32 $0x1  }
0x2: {  	[smem:$0x3F97] =	sst lr;
	_ =	strace $0xD0000000  }
0x3: {  	_ = 	snop  }
0x4: {  	_ = 	snop  }
0x5: {  	_ = 	snop  }
0x6: {  	_ = 	snop  }
0x7: {  	_ = 	snop  }
__scs_overlays_trampoline_lowered:
0x8: {  	[smem:$0x3FA6] =	sst s0  }
0x9: {  	[smem:$0x3FA7] =	sst s1  }
0xa: {  	[smem:$0x3FA8] =	sst s2  }
0xb: {  	[smem:$0x3FA9] =	sst s3  }
0xc: {  	[smem:$0x3FAA] =	sst s4  }
0xd: {  	[smem:$0x3FAB] =	sst s5  }
0xe: {  	[smem:$0x3FAC] =	sst s6  }
0xf: {  	[smem:$0x3FAD] =	sst s7  }
0x10: {  	[smem:$0x3FAE] =	sst s8  }
0x11: {  	[smem:$0x3FAF] =	sst s9;
	s0 =	simm.s32 @!p0 $0x0  }
0x12: {  	s1 =	sld [smem:$0x3F95];
	s0 =	simm.s32 @p0 $0x1  }
0x13: {  	[smem:$0x3FB0] =	sst s0;
	s0 =	simm.s32 @!p1 $0x0  }
0x14: {  	s2 =	sld [smem:$0x3F94];
	s0 =	simm.s32 @p1 $0x1  }
0x15: {  	[smem:$0x3FB1] =	sst s0;
	s0 =	simm.s32 @!p2 $0x0  }
0x16: {  	s3 =	sld [smem:$0x3FDB];
	s0 =	simm.s32 @p2 $0x1  }
0x17: {  	s4 =	simm.s32 $0x1BF5;
	[smem:$0x3FB3] =	sst s0  }
0x18: {  	s0 =	sld [smem:$0x3F96];
	_ =	swait.ge [sflag:s4], $0x0  }
0x19: {  	s7 =	sld [smem:$0x3F97]  }
0x1a: {  	s8 =	sadd.s32 $0xFFFFE003, lr  }
0x1b: {  	s9 =	sadd.s32 $0xFFFFFEF7, lr;
	s5 =	simm.s32 $0xFFFFFFFF;
	p2 =	slt.u32 s8, $0xFFFFF086  }
0x1c: {  	p1 =	slt.u32 s9, $0xF7A;
	s5 =	simm.s32 @!p2 $0x0  }
0x1d: {  	s5 =	simm.s32 @p1 $0x1;
	p0 =	seq.s32 s7, s2  }
0x1e: {  	s7 =	smul.u32 @!p0 $0xF7A, s2;
	p2 =	seq.s32 @!p0 s5, $0x0  }
0x1f: {  	s9 =	smul.u32 $0xF7A, s1;
	s8 =	simm.s32 @!p0 $0x1BF5;
	p2 =	por !p2, p0  }
0x20: {  	[sflag:s8] =	ssyncset.s32 @!p0 $0xFFFFF086;
	s6 =	sadd.s32 @!p0 s3, s7;
	s7 =	simm.s32 @!p0 $0x108  }
0x21: {  	s3 =	sadd.s32 s3, s9;
	s6 =	sadd.s32 @!p0 $0x88, s6;
	s7 =	simm.s32 @p2 $0x1082  }
0x22: {  	[simem:s7], [sflag:s8] =	dma.local @!p0 [hbm:s6], $0xF7A  }
0x23: {  	s9 =	sor.u32 $0xD0000000, s2;
	s6 =	simm.s32 $0x108;
	_ =	swait.ge @!p0 [sflag:s8], $0x0  }
0x24: {  	s3 =	sadd.s32 $0x88, s3;
	s6 =	simm.s32 @!p1 $0x1082;
	[sflag:s4] =	ssyncset.s32 $0xFFFFF086  }
0x25: {  	[simem:s6], [sflag:s4] =	dma.local [hbm:s3], $0xF7A  }
0x26: {  	[smem:$0x3F97] =	sst s1;
	(tag) =	ssettag s2;
	_ =	strace s9  }
0x27: {  	s1 =	sld [smem:$0x3FA7]  }
0x28: {  	s2 =	sld [smem:$0x3FA8]  }
0x29: {  	s4 =	sld [smem:$0x3FAA]  }
0x2a: {  	p0 =	seq.s32 s5, $0x0;
	s5 =	sld [smem:$0x3FAB]  }
0x2b: {  	s6 =	sld [smem:$0x3FAC]  }
0x2c: {  	s7 =	sld [smem:$0x3FAD]  }
0x2d: {  	s3 =	simm.s32 $0x108;
	s8 =	sld [smem:$0x3FAE]  }
0x2e: {  	s3 =	simm.s32 @!p0 $0x1082;
	s9 =	sld [smem:$0x3FAF]  }
0x2f: {  	lr =	sadd.s32 s0, s3;
	s0 =	sld [smem:$0x3FA6]  }
0x30: {  	s3 =	sld [smem:$0x3FA9]  }
0x31: {  	[smem:$0x3FB2] =	sst s10  }
0x32: {  	s10 =	sld [smem:$0x3FB0];
	_ =	sdelay $0x3  }
0x33: {  	p0 =	seq.s32 s10, $0x1;
	s10 =	sld [smem:$0x3FB2];
	_ =	sdelay $0x3  }
0x34: {  	[smem:$0x3FB2] =	sst s10  }
0x35: {  	s10 =	sld [smem:$0x3FB1];
	_ =	sdelay $0x3  }
0x36: {  	p1 =	seq.s32 s10, $0x1;
	s10 =	sld [smem:$0x3FB2];
	_ =	sdelay $0x3  }
0x37: {  	[smem:$0x3FB2] =	sst s10  }
0x38: {  	s10 =	sld [smem:$0x3FB3]  }
0x39: {  	_ = 	snop;
	(pc) =	sbr.ind lr, $3  }
0x3a: {  	_ = 	snop  }
0x3b: {  	_ = 	snop  }
0x3c: {  	p2 =	seq.s32 s10, $0x1;
	s10 =	sld [smem:$0x3FB2]  }
0x3d: {  	_ =	shalt  }
0x3e: {  	_ =	shalt  }
0x3f: {  	_ =	shalt  }
0x40: {  	_ =	shalt  }
0x41: {  	_ =	shalt  }
0x42: {  	_ =	shalt  }
0x43: {  	_ =	shalt  }
0x44: {  	_ =	shalt  }
0x45: {  	_ =	shalt  }
0x46: {  	_ =	shalt  }
0x47: {  	_ =	shalt  }
0x48: {  	_ =	shalt  }
0x49: {  	_ =	shalt  }
0x4a: {  	_ =	shalt  }
0x4b: {  	_ =	shalt  }
0x4c: {  	_ =	shalt  }
0x4d: {  	_ =	shalt  }
0x4e: {  	_ =	shalt  }
0x4f: {  	_ =	shalt  }
0x50: {  	_ =	shalt  }
0x51: {  	_ =	shalt  }
0x52: {  	_ =	shalt  }
0x53: {  	_ =	shalt  }
0x54: {  	_ =	shalt  }
0x55: {  	_ =	shalt  }
0x56: {  	_ =	shalt  }
0x57: {  	_ =	shalt  }
0x58: {  	_ =	shalt  }
0x59: {  	_ =	shalt  }
0x5a: {  	_ =	shalt  }
0x5b: {  	_ =	shalt  }
0x5c: {  	_ =	shalt  }
0x5d: {  	_ =	shalt  }
0x5e: {  	_ =	shalt  }
0x5f: {  	_ =	shalt  }
0x60: {  	_ =	shalt  }
0x61: {  	_ =	shalt  }
0x62: {  	_ =	shalt  }
0x63: {  	_ =	shalt  }
0x64: {  	_ =	shalt  }
0x65: {  	_ =	shalt  }
0x66: {  	_ =	shalt  }
0x67: {  	_ =	shalt  }
0x68: {  	_ =	shalt  }
0x69: {  	_ =	shalt  }
0x6a: {  	_ =	shalt  }
0x6b: {  	_ =	shalt  }
0x6c: {  	_ =	shalt  }
0x6d: {  	_ =	shalt  }
0x6e: {  	_ =	shalt  }
0x6f: {  	_ =	shalt  }
0x70: {  	_ =	shalt  }
0x71: {  	_ =	shalt  }
0x72: {  	_ =	shalt  }
0x73: {  	_ =	shalt  }
0x74: {  	_ =	shalt  }
0x75: {  	_ =	shalt  }
0x76: {  	_ =	shalt  }
0x77: {  	_ =	shalt  }
0x78: {  	_ =	shalt  }
0x79: {  	_ =	shalt  }
0x7a: {  	_ =	shalt  }
0x7b: {  	_ =	shalt  }
0x7c: {  	_ =	shalt  }
0x7d: {  	_ =	shalt  }
0x7e: {  	_ =	shalt  }
0x7f: {  	_ =	shalt  }
0x80: {  	_ =	shalt  }
0x81: {  	_ =	shalt  }
0x82: {  	_ =	shalt  }
0x83: {  	_ =	shalt  }
0x84: {  	_ =	shalt  }
0x85: {  	_ =	shalt  }
0x86: {  	_ =	shalt  }
0x87: {  	_ =	shalt  }
.Lfunc_end0:
.L_simem_size_0:
called_computation_lowered:
.L_overlay_start_0:
0x88: {  	s2 =	sld [smem:$0x3FD9]  }
0x89: {  	s3 =	sld [smem:$0x3FFE];
	_ =	sdelay $0x1  }
0x8a: {  	s1 =	srdreg.scid  }
0x8b: {  	s0 =	sand.u32 $0x1, s1  }
0x8c: {  	s16 =	sshll.u32 s0, $0xA;
	s2 =	sadd.s32 s3, s2  }
0x8d: {  	s2 =	sadd.s32 s2, s16  }
0x8e: {  	[smem:$0x3FBE] =	sst s2  }
0x8f: {  	_ = 	snop  }
0x90: {  	(tm) =	ssettm $0x1  }
0x91: {  	s17 =	sld [smem:$0x3FFB];
	_ =	sdelay $0x3  }
0x92: {  	_ =	strace s17  }
0x93: {  	s2 =	sld [smem:$0x3FFC];
	_ =	sdelay $0x3  }
0x94: {  	_ =	strace s2  }
0x95: {  	s2 =	sld [smem:$0x3FFD];
	_ =	sdelay $0x3  }
0x96: {  	_ =	strace s2  }
0x97: {  	_ =	strace $0x8FFFFFFF  }
0x98: {  	s18 =	sld [smem:$0x3FDB];
	_ =	sdelay $0x1  }
0x99: {  	s19 =	simm.s32 $_scs_section_size  }
0x9a: {  	s4 =	simm.s32 $_size__tile_overlayer_lowered;
	s5 =	simm.s32 $_tile_overlayer_lowered  }
0x9b: {  	s22 =	simm.s32 $0x1BFF;
	s21 =	sshll.u32 s5, $0x1;
	s2 =	sadd.s32 s19, s18  }
0x9c: {  	s6 =	simm.s32 $0x0;
	s20 =	sshll.u32 s4, $0x1;
	s4 =	sadd.s32 s21, s2  }
0x9d: {  	[timem:s6], [sflag:s22] =	dma.local [hbm:s4], s20  }
0x9e: {  	_ =	swait.ge [sflag:s22], s20  }
0x9f: {  	s3 =	ssub.s32 $0x0, s20;
	[sflag:s22] =	ssyncset.done $0x0  }
0xa0: {  	[sflag:s22] =	ssyncadd.s32 s3;
	_ =	sdelay $0x1  }
0xa1: {  	s23 =	simm.s32 $0x1B8B  }
0xa2: {  	_ =	swait.ge [sflag:s23], $0x1  }
0xa3: {  	[sflag:s23] =	ssyncset.done $0x0  }
0xa4: {  	s25 =	simm.s32 $0x1B8E;
	s24 =	sld [smem:$0x3FFE];
	[sflag:s23] =	ssyncadd.s32 $0xFFFFFFFF  }
0xa5: {  	s26 =	simm.s32 $execute0_lowered;
	[smem:$0x3FD2] =	sst s25  }
0xa6: {  	s4 =	sshll.u32 s26, $0x1;
	_ =	strace $0x80000046;
	[dreg:$0x1] =	wrdreg $0xFFFFFFFF  }
0xa7: {  	s28 =	simm.s32 $_size_execute0_lowered;
	s2 =	sadd.s32 s2, s4;
	[dreg:$0x0] =	wrdreg $0x0  }
0xa8: {  	s4 =	sshll.u32 s28, $0x1;
	[dreg:$0x2] =	wrdreg s2  }
0xa9: {  	[dreg:$0x3] =	wrdreg s4  }
0xaa: {  	[dreg:$0x4] =	wrdreg $0xC0  }
0xab: {  	_ =	task [dreg:s6], $0x5FFFF  }
0xac: {  	[dreg:$0x1] =	wrdreg $0xFFFFFFFF  }
0xad: {  	[dreg:$0x0] =	wrdreg $0x60  }
0xae: {  	[dreg:$0x2] =	wrdreg s24  }
0xaf: {  	[dreg:$0x3] =	wrdreg $0x53000  }
0xb0: {  	[dreg:$0x4] =	wrdreg $0x55800  }
0xb1: {  	[dreg:$0x5] =	wrdreg $0x9  }
0xb2: {  	_ =	task.clear_ibuf [dreg:s6], $0x6FFFF;
	_ =	strace $0x90000046  }
0xb3: {  	s29 =	simm.s32 $0x9;
	_ =	strace $0x80000048  }
0xb4: {  	_ =	swait.ge [sflag:s29], $0x1  }
0xb5: {  	[sflag:s29] =	ssyncadd.s32 $0xFFFFFFFF  }
0xb6: {  	_ =	strace $0x90000048  }
0xb7: {  	_ =	sfence  }
0xb8: {  	s30 =	sld [smem:$0x0];
	_ =	sdelay $0x2  }
0xb9: {  	s31 =	sshll.u32 s1, $0xD;
	s1 =	sshrl.u32 s1, $0x2  }
0xba: {  	s3 =	sand.u32 $0x4000, s31;
	s1 =	sadd.s32 s1, s30  }
0xbb: {  	s0 =	sor.u32 s3, s0;
	s1 =	sshll.u32 s1, $0x11  }
0xbc: {  	s0 =	sor.u32 s1, s0  }
0xbd: {  	s0 =	sadd.s32 $0x8F2B, s0  }
0xbe: {  	[sflag:s0] =	ssyncadd.remote.s32 $0x1  }
0xbf: {  	_ =	sfence.sel $0xFFFF  }
0xc0: {  	[dreg:$0x0] =	wrdreg $0xFFFFFFFF;
	(pc) =	sbr.abs _section_cstart, $3  }
0xc1: {  	[dreg:$0x1] =	wrdreg $0xFFFFFFFF  }
0xc2: {  	_ =	task.clear_ibuf [dreg:s6], $0x2FFFF;
	_ =	strace $0x9FFFFFFF  }
0xc3: {  	(tm) =	ssettm $0x7FFFFFFF  }
tec
execute0_lowered:
.L_overlay_start_1:
0x0: {  	(tag) =	ssettag $0x1  }
0x1: {  	s5 =	rddreg [dreg:$0x0]  }
0x2: {  	s0 =	srdreg.scid;
	s2 =	rddreg [dreg:$0x1]  }
0x3: {  	s3 =	rddreg [dreg:$0x2];
	s1 =	stileid.u32  }
0x4: {  	s4 =	simm.s32 $0x0;
	s14 =	simm.s32 $0x2800;
	s15 =	simm.s32 $0x80  }
0x5: {  	s16 =	simm.s32 $0x5000;
	s19 =	simm.s32 $0x20;
	s20 =	simm.s32 $0x10  }
0x6: {  	s6 =	sand.u32 $0x1, s0;
	s0 =	rddreg [dreg:$0x3];
	s8 =	smul.u32 $0x280, s1  }
0x7: {  	s22 =	simm.s32 $0x0;
	[smem:$0x7FF] =	sst s4;
	s10 =	smul.u32 $0x500, s1  }
0x8: {  	s11 =	sadd.s32 $0x16800, s5;
	s17 =	sshll.u32 s1, $0x6;
	s7 =	sshll.u32 s6, $0x4  }
0x9: {  	_ =	strace $0x80000047;
	s28 =	ssub.s32 $0x2, s6;
	s6 =	sshll.u32 s6, $0x7  }
0xa: {  	s17 =	sor.u32 $0x1C01, s17;
	s7 =	sor.u32 s1, s7;
	s29 =	sshrl.u32 s28, $0x1  }
0xb: {  	s10 =	sor.u32 s6, s10;
	s6 =	sadd.s32 s8, s3;
	s7 =	smul.u32 $0x500, s7  }
0xc: {  	s12 =	ssub.s32 s28, s29;
	s13 =	sadd.s32 $0x5000, s10;
	s30 =	sshrl.u32 s10, $0x3  }
0xd: {  	s21 =	sshrl.u32 s6, $0x3;
	s31 =	sshrl.u32 s13, $0x3;
	s13 =	simm.s32 $0x1  }
0xe: {  	s9 =	sadd.s32 s7, s5;
	s5 =	sadd.s32 s8, s2;
	s10 =	sadd.s32 s11, s31  }
0xf: {  	s7 =	sadd.s32 $0x2800, s9;
	s8 =	sadd.s32 $0xC800, s9;
	s9 =	sadd.s32 s11, s30  }
0x10: {  	v0 =	vimm.f32 $1.000000000e+00;
	v1 =	vimm.f32 $0.0e+00;
	s11 =	smax.u32 s12, $0x1;
	s12 =	simm.s32 $0x5080;
	s18 =	sshrl.u32 s5, $0x3  }
.LBB2_1:
0x11: {  	[tilespmem:$0x5000] =	vst v0  }
0x12: {  	[tilespmem:$0x5010] =	vst v0  }
0x13: {  	[tilespmem:$0x5020] =	vst v0  }
0x14: {  	[tilespmem:$0x5030] =	vst v0  }
0x15: {  	[tilespmem:$0x5040] =	vst v0  }
0x16: {  	[tilespmem:$0x5050] =	vst v0  }
0x17: {  	[tilespmem:$0x5060] =	vst v0  }
0x18: {  	[tilespmem:$0x5070] =	vst v0  }
0x19: {  	[tilespmem:$0x5080] =	vst v1  }
0x1a: {  	[tilespmem:$0x5090] =	vst v1  }
0x1b: {  	[tilespmem:$0x50A0] =	vst v1  }
0x1c: {  	[tilespmem:$0x50B0] =	vst v1  }
0x1d: {  	[tilespmem:$0x50C0] =	vst v1  }
0x1e: {  	[tilespmem:$0x50D0] =	vst v1  }
0x1f: {  	[tilespmem:$0x50E0] =	vst v1  }
0x20: {  	[tilespmem:$0x50F0] =	vst v1  }
0x21: {  	[tilespmem:$0x5100] =	vst v1  }
0x22: {  	[tilespmem:$0x5110] =	vst v1  }
0x23: {  	[tilespmem:$0x5120] =	vst v1  }
0x24: {  	[tilespmem:$0x5130] =	vst v1  }
0x25: {  	[tilespmem:$0x5140] =	vst v1  }
0x26: {  	[tilespmem:$0x5150] =	vst v1  }
0x27: {  	[tilespmem:$0x5160] =	vst v1  }
0x28: {  	[tilespmem:$0x5170] =	vst v1  }
0x29: {  	[tilespmem:$0x5180] =	vst v1  }
0x2a: {  	[tilespmem:$0x5190] =	vst v1  }
0x2b: {  	[tilespmem:$0x51A0] =	vst v1  }
0x2c: {  	[tilespmem:$0x51B0] =	vst v1  }
0x2d: {  	[tilespmem:$0x51C0] =	vst v1  }
0x2e: {  	[tilespmem:$0x51D0] =	vst v1  }
0x2f: {  	[tilespmem:$0x51E0] =	vst v1  }
0x30: {  	[tilespmem:$0x51F0] =	vst v1  }
0x31: {  	[tilespmem:$0x5200] =	vst v1  }
0x32: {  	[tilespmem:$0x5210] =	vst v1  }
0x33: {  	[tilespmem:$0x5220] =	vst v1  }
0x34: {  	[tilespmem:$0x5230] =	vst v1  }
0x35: {  	[tilespmem:$0x5240] =	vst v1  }
0x36: {  	[tilespmem:$0x5250] =	vst v1  }
0x37: {  	[tilespmem:$0x5260] =	vst v1  }
0x38: {  	[tilespmem:$0x5270] =	vst v1  }
0x39: {  	[tilespmem:$0x5280] =	vst v1  }
0x3a: {  	[tilespmem:$0x5290] =	vst v1  }
0x3b: {  	[tilespmem:$0x52A0] =	vst v1  }
0x3c: {  	[tilespmem:$0x52B0] =	vst v1  }
0x3d: {  	[tilespmem:$0x52C0] =	vst v1  }
0x3e: {  	[tilespmem:$0x52D0] =	vst v1  }
0x3f: {  	[tilespmem:$0x52E0] =	vst v1  }
0x40: {  	[tilespmem:$0x52F0] =	vst v1  }
0x41: {  	[spmem:s5] =	stream.linear.scatter [tilespmem:s12], [sflag:$0x1], $0x280, $0x38;
	[tilespmem:$0x5800] =	vst v63  }
0x42: {  	_ =	swait.ge [sflag:s13], $0x280  }
0x43: {  	[sflag:s13] =	ssyncset.done $0x0  }
0x44: {  	[sflag:s13] =	ssyncadd.s32 $0xFFFFFD80  }
0x45: {  	[spmem:s6] =	stream.linear.scatter [tilespmem:s12], [sflag:$0x1], $0x280, $0x38;
	[tilespmem:$0x5800] =	vst v63  }
0x46: {  	_ =	swait.ge [sflag:s13], $0x280  }
0x47: {  	[sflag:s13] =	ssyncset.done $0x0  }
0x48: {  	[sflag:s13] =	ssyncadd.s32 $0xFFFFFD80  }
0x49: {  	[bflag:$0x0] =	sbarrier.arrive $0xFFFF  }
0x4a: {  	[tilespmem:s4], [sflag:$0x1] =	stream.linear.gather [hbm4b:s7+s4], $0x2780, $0x38;
	[tilespmem:$0x5800] =	vst v63  }
0x4b: {  	_ =	swait.ge [sflag:s13], $0x2780  }
0x4c: {  	[sflag:s13] =	ssyncset.done $0x0  }
0x4d: {  	[sflag:s13] =	ssyncadd.s32 $0xFFFFD880  }
0x4e: {  	[tilespmem:s14], [sflag:$0x1] =	stream.linear.gather [hbm4b:s8+s4], $0x2780, $0x38;
	[tilespmem:$0x5800] =	vst v63  }
0x4f: {  	_ =	swait.ge [sflag:s13], $0x2780  }
0x50: {  	[sflag:s13] =	ssyncset.done $0x0  }
0x51: {  	s23 =	simm.s32 $0x0;
	[sflag:s13] =	ssyncadd.s32 $0xFFFFD880  }
0x52: {  	[spmem:s2] =	stream.indirect.scatter.add.f32 [tilespmem:s16], [sflag:$0x1], $0x1, s23, s15, $0xb8;
	[tilespmem:$0x5800] =	vst v63  }
0x53: {  	_ =	swait.ge [sflag:s13], $0x80  }
0x54: {  	[sflag:s13] =	ssyncset.done $0x0  }
0x55: {  	s31 =	simm.s32 $0x2800;
	[sflag:s13] =	ssyncadd.s32 $0xFFFFFF80  }
0x56: {  	[spmem:s3] =	stream.indirect.scatter.add.f32 [tilespmem:s16], [sflag:$0x1], $0x1, s31, s15, $0xb8;
	[tilespmem:$0x5800] =	vst v63  }
0x57: {  	_ =	swait.ge [sflag:s13], $0x80  }
0x58: {  	s24 =	simm.s32 $0x400;
	s23 =	simm.s32 $0x200;
	[sflag:s13] =	ssyncset.done $0x0  }
.LBB2_2:
0x59: {  	s25 =	sshra.s32 s23, $0x2  }
0x5a: {  	[sflag:s13] =	ssyncadd.s32 $0xFFFFFF80;
	s23 =	smov.u32 s24;
	s26 =	sadd.s32 $0x200, s24  }
0x5b: {  	[spmem:s2] =	stream.indirect.scatter.add.f32 [tilespmem:s16], [sflag:$0x1], $0x1, s25, s15, $0xb8;
	[tilespmem:$0x5800] =	vst v63  }
0x5c: {  	p0 =	sne.s32 s24, $0x9C00;
	_ =	swait.ge [sflag:s13], $0x80  }
.Ltmp0:
0x5d: {  	[sflag:s13] =	ssyncset.done $0x0;
	(pc) =	sbr.rel @p0 .LBB2_2-.Ltmp0, $4  }
0x5e: {  	s24 =	sadd.s32 $0x2800, s25;
	[sflag:s13] =	ssyncadd.s32 $0xFFFFFF80  }
0x5f: {  	[spmem:s3] =	stream.indirect.scatter.add.f32 [tilespmem:s16], [sflag:$0x1], $0x1, s24, s15, $0xb8;
	[tilespmem:$0x5800] =	vst v63  }
0x60: {  	_ =	swait.ge [sflag:s13], $0x80  }
0x61: {  	s24 =	smov.u32 s26;
	[sflag:s13] =	ssyncset.done $0x0  }
0x62: {  	s23 =	sshra.s32 s23, $0x2;
	[sflag:s13] =	ssyncadd.s32 $0xFFFFFF80  }
0x63: {  	[spmem:s2] =	stream.indirect.scatter.add.f32 [tilespmem:s16], [sflag:$0x1], $0x1, s23, s15, $0xb8;
	[tilespmem:$0x5800] =	vst v63  }
0x64: {  	_ =	swait.ge [sflag:s13], $0x80  }
0x65: {  	[sflag:s13] =	ssyncset.done $0x0  }
0x66: {  	s23 =	sadd.s32 $0x2800, s23;
	[sflag:s13] =	ssyncadd.s32 $0xFFFFFF80  }
0x67: {  	[spmem:s3] =	stream.indirect.scatter.add.f32 [tilespmem:s16], [sflag:$0x1], $0x1, s23, s15, $0xb8;
	[tilespmem:$0x5800] =	vst v63  }
0x68: {  	_ =	swait.ge [sflag:s13], $0x80  }
0x69: {  	[sflag:s13] =	ssyncset.done $0x0  }
0x6a: {  	[sflag:s13] =	ssyncadd.s32 $0xFFFFFF80  }
0x6b: {  	[bflag:$0x0] =	sbarrier.arrive $0xFFFF  }
0x6c: {  	[hbm:s9@s19], [sflag:s17] =	dma.strided [spmem:s18@s20], $0x50, s13, $0x10   }
0x6d: {  	s22 =	sadd.s32 $0x1, s22;
	_ =	swait.ge [sflag:s13], $0x50  }
0x6e: {  	p0 =	sne.s32 s22, s11;
	[sflag:s13] =	ssyncset.done $0x0  }
.Ltmp1:
0x6f: {  	[sflag:s13] =	ssyncadd.s32 $0xFFFFFFB0;
	(pc) =	sbr.rel @p0 .LBB2_1-.Ltmp1, $4  }
0x70: {  	[hbm:s10@s19], [sflag:s17] =	dma.strided [spmem:s21@s20], $0x50, s13, $0x10   }
0x71: {  	_ =	swait.ge [sflag:s13], $0x50  }
0x72: {  	[sflag:s13] =	ssyncset.done $0x0  }
0x73: {  	[sflag:s13] =	ssyncadd.s32 $0xFFFFFFB0  }
0x74: {  	_ =	sfence.sel $0x180000  }
0x75: {  	[bflag:$0x0] =	sbarrier.arrive $0xFFFF  }
0x76: {  	p0 =	sne.s32 s1, $0x0;
	_ =	strace $0x90000047  }
0x77: {  	s0 =	sadd.s32 @!p0 $0x100000, s0;
	[bflag:$0x2] =	sbarrier.arrive $0xFFFF  }
0x78: {  	[sflag:s0] =	ssyncadd.tile.s32 @!p0 $0x1;
	_ =	shalt  }
.Lfunc_end2:
_tile_overlayer_lowered:
.L_overlay_start_2:
0x79: {  	(tag) =	ssettag $0x2  }
0x7a: {  	s0 =	rddreg [dreg:$0x0];
	s2 =	stileid.u32  }
0x7b: {  	s1 =	rddreg [dreg:$0x1];
	p0 =	sne.s32 s2, $0x0  }
0x7c: {  	s3 =	rddreg [dreg:$0x2];
	[bflag:$0x3] =	sbarrier.arrive $0xFFFF;
	s2 =	simm.s32 @!p0 $0x1C01  }
0x7d: {  	[timem:s3], [sflag:s2] =	dma.local @!p0 [hbm:s0], s1  }
0x7e: {  	s0 =	simm.s32 @!p0 $0x1  }
0x7f: {  	_ =	swait.ge @!p0 [sflag:s0], s1  }
0x80: {  	s1 =	ssub.s32 @!p0 $0x0, s1;
	[sflag:s0] =	ssyncset.done @!p0 $0x0  }
0x81: {  	[sflag:s0] =	ssyncadd.s32 @!p0 s1  }
0x82: {  	[bflag:$0x3] =	sbarrier.arrive $0xFFFF  }
0x83: {  	_ =	shalt  }

// kernel: kernel.9.cloned.1.call-start
scs
__scs_entry_jumppad:
0x0: {  	(pc) =	sbr.rel $0x88, $3  }
0x1: {  	(tag) =	ssettag $0x0;
	lr =	simm.s32 $0x1  }
0x2: {  	[smem:$0x3F97] =	sst lr;
	_ =	strace $0xD0000000  }
0x3: {  	_ = 	snop  }
0x4: {  	_ = 	snop  }
0x5: {  	_ = 	snop  }
0x6: {  	_ = 	snop  }
0x7: {  	_ = 	snop  }
__scs_overlays_trampoline_lowered:
0x8: {  	[smem:$0x3FA6] =	sst s0  }
0x9: {  	[smem:$0x3FA7] =	sst s1  }
0xa: {  	[smem:$0x3FA8] =	sst s2  }
0xb: {  	[smem:$0x3FA9] =	sst s3  }
0xc: {  	[smem:$0x3FAA] =	sst s4  }
0xd: {  	[smem:$0x3FAB] =	sst s5  }
0xe: {  	[smem:$0x3FAC] =	sst s6  }
0xf: {  	[smem:$0x3FAD] =	sst s7  }
0x10: {  	[smem:$0x3FAE] =	sst s8  }
0x11: {  	[smem:$0x3FAF] =	sst s9;
	s0 =	simm.s32 @!p0 $0x0  }
0x12: {  	s1 =	sld [smem:$0x3F95];
	s0 =	simm.s32 @p0 $0x1  }
0x13: {  	[smem:$0x3FB0] =	sst s0;
	s0 =	simm.s32 @!p1 $0x0  }
0x14: {  	s2 =	sld [smem:$0x3F94];
	s0 =	simm.s32 @p1 $0x1  }
0x15: {  	[smem:$0x3FB1] =	sst s0;
	s0 =	simm.s32 @!p2 $0x0  }
0x16: {  	s3 =	sld [smem:$0x3FDB];
	s0 =	simm.s32 @p2 $0x1  }
0x17: {  	s4 =	simm.s32 $0x1BF5;
	[smem:$0x3FB3] =	sst s0  }
0x18: {  	s0 =	sld [smem:$0x3F96];
	_ =	swait.ge [sflag:s4], $0x0  }
0x19: {  	s7 =	sld [smem:$0x3F97]  }
0x1a: {  	s8 =	sadd.s32 $0xFFFFE003, lr  }
0x1b: {  	s9 =	sadd.s32 $0xFFFFFEF7, lr;
	s5 =	simm.s32 $0xFFFFFFFF;
	p2 =	slt.u32 s8, $0xFFFFF086  }
0x1c: {  	p1 =	slt.u32 s9, $0xF7A;
	s5 =	simm.s32 @!p2 $0x0  }
0x1d: {  	s5 =	simm.s32 @p1 $0x1;
	p0 =	seq.s32 s7, s2  }
0x1e: {  	s7 =	smul.u32 @!p0 $0xF7A, s2;
	p2 =	seq.s32 @!p0 s5, $0x0  }
0x1f: {  	s9 =	smul.u32 $0xF7A, s1;
	s8 =	simm.s32 @!p0 $0x1BF5;
	p2 =	por !p2, p0  }
0x20: {  	[sflag:s8] =	ssyncset.s32 @!p0 $0xFFFFF086;
	s6 =	sadd.s32 @!p0 s3, s7;
	s7 =	simm.s32 @!p0 $0x108  }
0x21: {  	s3 =	sadd.s32 s3, s9;
	s6 =	sadd.s32 @!p0 $0x88, s6;
	s7 =	simm.s32 @p2 $0x1082  }
0x22: {  	[simem:s7], [sflag:s8] =	dma.local @!p0 [hbm:s6], $0xF7A  }
0x23: {  	s9 =	sor.u32 $0xD0000000, s2;
	s6 =	simm.s32 $0x108;
	_ =	swait.ge @!p0 [sflag:s8], $0x0  }
0x24: {  	s3 =	sadd.s32 $0x88, s3;
	s6 =	simm.s32 @!p1 $0x1082;
	[sflag:s4] =	ssyncset.s32 $0xFFFFF086  }
0x25: {  	[simem:s6], [sflag:s4] =	dma.local [hbm:s3], $0xF7A  }
0x26: {  	[smem:$0x3F97] =	sst s1;
	(tag) =	ssettag s2;
	_ =	strace s9  }
0x27: {  	s1 =	sld [smem:$0x3FA7]  }
0x28: {  	s2 =	sld [smem:$0x3FA8]  }
0x29: {  	s4 =	sld [smem:$0x3FAA]  }
0x2a: {  	p0 =	seq.s32 s5, $0x0;
	s5 =	sld [smem:$0x3FAB]  }
0x2b: {  	s6 =	sld [smem:$0x3FAC]  }
0x2c: {  	s7 =	sld [smem:$0x3FAD]  }
0x2d: {  	s3 =	simm.s32 $0x108;
	s8 =	sld [smem:$0x3FAE]  }
0x2e: {  	s3 =	simm.s32 @!p0 $0x1082;
	s9 =	sld [smem:$0x3FAF]  }
0x2f: {  	lr =	sadd.s32 s0, s3;
	s0 =	sld [smem:$0x3FA6]  }
0x30: {  	s3 =	sld [smem:$0x3FA9]  }
0x31: {  	[smem:$0x3FB2] =	sst s10  }
0x32: {  	s10 =	sld [smem:$0x3FB0];
	_ =	sdelay $0x3  }
0x33: {  	p0 =	seq.s32 s10, $0x1;
	s10 =	sld [smem:$0x3FB2];
	_ =	sdelay $0x3  }
0x34: {  	[smem:$0x3FB2] =	sst s10  }
0x35: {  	s10 =	sld [smem:$0x3FB1];
	_ =	sdelay $0x3  }
0x36: {  	p1 =	seq.s32 s10, $0x1;
	s10 =	sld [smem:$0x3FB2];
	_ =	sdelay $0x3  }
0x37: {  	[smem:$0x3FB2] =	sst s10  }
0x38: {  	s10 =	sld [smem:$0x3FB3]  }
0x39: {  	_ = 	snop;
	(pc) =	sbr.ind lr, $3  }
0x3a: {  	_ = 	snop  }
0x3b: {  	_ = 	snop  }
0x3c: {  	p2 =	seq.s32 s10, $0x1;
	s10 =	sld [smem:$0x3FB2]  }
0x3d: {  	_ =	shalt  }
0x3e: {  	_ =	shalt  }
0x3f: {  	_ =	shalt  }
0x40: {  	_ =	shalt  }
0x41: {  	_ =	shalt  }
0x42: {  	_ =	shalt  }
0x43: {  	_ =	shalt  }
0x44: {  	_ =	shalt  }
0x45: {  	_ =	shalt  }
0x46: {  	_ =	shalt  }
0x47: {  	_ =	shalt  }
0x48: {  	_ =	shalt  }
0x49: {  	_ =	shalt  }
0x4a: {  	_ =	shalt  }
0x4b: {  	_ =	shalt  }
0x4c: {  	_ =	shalt  }
0x4d: {  	_ =	shalt  }
0x4e: {  	_ =	shalt  }
0x4f: {  	_ =	shalt  }
0x50: {  	_ =	shalt  }
0x51: {  	_ =	shalt  }
0x52: {  	_ =	shalt  }
0x53: {  	_ =	shalt  }
0x54: {  	_ =	shalt  }
0x55: {  	_ =	shalt  }
0x56: {  	_ =	shalt  }
0x57: {  	_ =	shalt  }
0x58: {  	_ =	shalt  }
0x59: {  	_ =	shalt  }
0x5a: {  	_ =	shalt  }
0x5b: {  	_ =	shalt  }
0x5c: {  	_ =	shalt  }
0x5d: {  	_ =	shalt  }
0x5e: {  	_ =	shalt  }
0x5f: {  	_ =	shalt  }
0x60: {  	_ =	shalt  }
0x61: {  	_ =	shalt  }
0x62: {  	_ =	shalt  }
0x63: {  	_ =	shalt  }
0x64: {  	_ =	shalt  }
0x65: {  	_ =	shalt  }
0x66: {  	_ =	shalt  }
0x67: {  	_ =	shalt  }
0x68: {  	_ =	shalt  }
0x69: {  	_ =	shalt  }
0x6a: {  	_ =	shalt  }
0x6b: {  	_ =	shalt  }
0x6c: {  	_ =	shalt  }
0x6d: {  	_ =	shalt  }
0x6e: {  	_ =	shalt  }
0x6f: {  	_ =	shalt  }
0x70: {  	_ =	shalt  }
0x71: {  	_ =	shalt  }
0x72: {  	_ =	shalt  }
0x73: {  	_ =	shalt  }
0x74: {  	_ =	shalt  }
0x75: {  	_ =	shalt  }
0x76: {  	_ =	shalt  }
0x77: {  	_ =	shalt  }
0x78: {  	_ =	shalt  }
0x79: {  	_ =	shalt  }
0x7a: {  	_ =	shalt  }
0x7b: {  	_ =	shalt  }
0x7c: {  	_ =	shalt  }
0x7d: {  	_ =	shalt  }
0x7e: {  	_ =	shalt  }
0x7f: {  	_ =	shalt  }
0x80: {  	_ =	shalt  }
0x81: {  	_ =	shalt  }
0x82: {  	_ =	shalt  }
0x83: {  	_ =	shalt  }
0x84: {  	_ =	shalt  }
0x85: {  	_ =	shalt  }
0x86: {  	_ =	shalt  }
0x87: {  	_ =	shalt  }
.Lfunc_end0:
.L_simem_size_0:
called_computation.1_lowered:
.L_overlay_start_0:
0x88: {  	s2 =	sld [smem:$0x3FD9]  }
0x89: {  	s3 =	sld [smem:$0x3FFE];
	_ =	sdelay $0x1  }
0x8a: {  	s1 =	srdreg.scid  }
0x8b: {  	s0 =	sand.u32 $0x1, s1  }
0x8c: {  	s16 =	sshll.u32 s0, $0xA;
	s2 =	sadd.s32 s3, s2  }
0x8d: {  	s2 =	sadd.s32 s2, s16  }
0x8e: {  	[smem:$0x3FBE] =	sst s2  }
0x8f: {  	_ = 	snop  }
0x90: {  	(tm) =	ssettm $0x1  }
0x91: {  	s17 =	sld [smem:$0x3FFB];
	_ =	sdelay $0x3  }
0x92: {  	_ =	strace s17  }
0x93: {  	s2 =	sld [smem:$0x3FFC];
	_ =	sdelay $0x3  }
0x94: {  	_ =	strace s2  }
0x95: {  	s2 =	sld [smem:$0x3FFD];
	_ =	sdelay $0x3  }
0x96: {  	_ =	strace s2  }
0x97: {  	_ =	strace $0x8FFFFFFF  }
0x98: {  	s18 =	sld [smem:$0x3FDB];
	_ =	sdelay $0x1  }
0x99: {  	s19 =	simm.s32 $_scs_section_size  }
0x9a: {  	s4 =	simm.s32 $_size__tile_overlayer_lowered;
	s5 =	simm.s32 $_tile_overlayer_lowered  }
0x9b: {  	s22 =	simm.s32 $0x1BFF;
	s21 =	sshll.u32 s5, $0x1;
	s2 =	sadd.s32 s19, s18  }
0x9c: {  	s6 =	simm.s32 $0x0;
	s20 =	sshll.u32 s4, $0x1;
	s4 =	sadd.s32 s21, s2  }
0x9d: {  	[timem:s6], [sflag:s22] =	dma.local [hbm:s4], s20  }
0x9e: {  	_ =	swait.ge [sflag:s22], s20  }
0x9f: {  	s3 =	ssub.s32 $0x0, s20;
	[sflag:s22] =	ssyncset.done $0x0  }
0xa0: {  	[sflag:s22] =	ssyncadd.s32 s3;
	_ =	sdelay $0x1  }
0xa1: {  	s23 =	simm.s32 $0x1B8B  }
0xa2: {  	_ =	swait.ge [sflag:s23], $0x1  }
0xa3: {  	[sflag:s23] =	ssyncset.done $0x0  }
0xa4: {  	s25 =	simm.s32 $0x1B8E;
	s24 =	sld [smem:$0x3FFE];
	[sflag:s23] =	ssyncadd.s32 $0xFFFFFFFF  }
0xa5: {  	s26 =	simm.s32 $execute0_lowered;
	[smem:$0x3FD2] =	sst s25  }
0xa6: {  	s4 =	sshll.u32 s26, $0x1;
	_ =	strace $0x80000049;
	[dreg:$0x1] =	wrdreg $0xFFFFFFFF  }
0xa7: {  	s28 =	simm.s32 $_size_execute0_lowered;
	s2 =	sadd.s32 s2, s4;
	[dreg:$0x0] =	wrdreg $0x0  }
0xa8: {  	s4 =	sshll.u32 s28, $0x1;
	[dreg:$0x2] =	wrdreg s2  }
0xa9: {  	[dreg:$0x3] =	wrdreg s4  }
0xaa: {  	[dreg:$0x4] =	wrdreg $0xC0  }
0xab: {  	_ =	task [dreg:s6], $0x5FFFF  }
0xac: {  	[dreg:$0x1] =	wrdreg $0xFFFFFFFF  }
0xad: {  	[dreg:$0x0] =	wrdreg $0x60  }
0xae: {  	[dreg:$0x2] =	wrdreg s24  }
0xaf: {  	[dreg:$0x3] =	wrdreg $0x90000  }
0xb0: {  	[dreg:$0x4] =	wrdreg $0x9  }
0xb1: {  	_ =	task.clear_ibuf [dreg:s6], $0x5FFFF;
	_ =	strace $0x90000049  }
0xb2: {  	s29 =	simm.s32 $0x9;
	_ =	strace $0x8000004B  }
0xb3: {  	_ =	swait.ge [sflag:s29], $0x1  }
0xb4: {  	[sflag:s29] =	ssyncadd.s32 $0xFFFFFFFF  }
0xb5: {  	_ =	strace $0x9000004B  }
0xb6: {  	_ =	sfence  }
0xb7: {  	s30 =	sld [smem:$0x0];
	_ =	sdelay $0x2  }
0xb8: {  	s31 =	sshll.u32 s1, $0xD;
	s1 =	sshrl.u32 s1, $0x2  }
0xb9: {  	s3 =	sand.u32 $0x4000, s31;
	s1 =	sadd.s32 s1, s30  }
0xba: {  	s0 =	sor.u32 s3, s0;
	s1 =	sshll.u32 s1, $0x11  }
0xbb: {  	s0 =	sor.u32 s1, s0  }
0xbc: {  	s0 =	sadd.s32 $0x8F2B, s0  }
0xbd: {  	[sflag:s0] =	ssyncadd.remote.s32 $0x1  }
0xbe: {  	_ =	sfence.sel $0xFFFF  }
0xbf: {  	[dreg:$0x0] =	wrdreg $0xFFFFFFFF;
	(pc) =	sbr.abs _section_cstart, $3  }
0xc0: {  	[dreg:$0x1] =	wrdreg $0xFFFFFFFF  }
0xc1: {  	_ =	task.clear_ibuf [dreg:s6], $0x2FFFF;
	_ =	strace $0x9FFFFFFF  }
0xc2: {  	(tm) =	ssettm $0x7FFFFFFF  }
0xc3: {  	_ =	shalt  }
tec
execute0_lowered:
.L_overlay_start_1:
0x0: {  	(tag) =	ssettag $0x1  }
0x1: {  	s6 =	rddreg [dreg:$0x0]  }
0x2: {  	s0 =	srdreg.scid;
	s2 =	rddreg [dreg:$0x1]  }
0x3: {  	s3 =	simm.s32 $0x0;
	s14 =	simm.s32 $0x5000;
	s15 =	simm.s32 $0x2  }
0x4: {  	s16 =	simm.s32 $0x2800;
	s17 =	simm.s32 $0x80;
	s5 =	sand.u32 $0x1, s0  }
0x5: {  	s18 =	simm.s32 $0x1;
	s0 =	stileid.u32;
	s8 =	smul.u32 $0x140000, s5  }
0x6: {  	s21 =	simm.s32 $0x0;
	[smem:$0x7FF] =	sst s3;
	s9 =	smul.u32 $0x14000, s0  }
0x7: {  	s4 =	sadd.s32 $0x21C00, s6;
	s1 =	sshll.u32 s5, $0x4;
	s10 =	smul.u32 $0x50000, s0  }
0x8: {  	s29 =	ssub.s32 $0x2, s5;
	s19 =	sshll.u32 s0, $0x6;
	s1 =	sor.u32 s0, s1  }
0x9: {  	s31 =	sshrl.u32 s29, $0x1;
	s19 =	sor.u32 $0x1C02, s19;
	s7 =	smul.u32 $0x500, s1  }
0xa: {  	s1 =	rddreg [dreg:$0x2];
	_ =	strace $0x8000004A;
	s30 =	sshrl.u32 s10, $0x2  }
0xb: {  	s28 =	sadd.s32 s9, s8;
	s13 =	ssub.s32 s29, s31;
	s5 =	sadd.s32 s30, s2  }
0xc: {  	s13 =	smax.u32 s13, $0x1;
	s11 =	sadd.s32 s7, s6;
	s7 =	sshrl.u32 s28, $0x3  }
0xd: {  	s8 =	sadd.s32 $0xC000, s5;
	s9 =	sadd.s32 $0x10000, s5;
	s20 =	sshrl.u32 s5, $0x3  }
0xe: {  	s12 =	sadd.s32 s7, s6;
	s6 =	sadd.s32 $0x4000, s5;
	s7 =	sadd.s32 $0x8000, s5  }
0xf: {  	v0 =	vimm.f32 $0.0e+00;
	s10 =	sadd.s32 $0x17C00, s11;
	s11 =	sadd.s32 $0xC800, s11;
	s12 =	sadd.s32 $0x48E00, s12  }
.LBB2_1:
0x10: {  	s22 =	sand.u32 $0xFE00, s3  }
0x11: {  	s23 =	sand.u32 $0x70, s3;
	s24 =	sshrl.u32 s22, $0x2  }
0x12: {  	s22 =	simm.s32 $0x40;
	s24 =	sor.u32 s23, s24;
	s23 =	simm.s32 $0x0  }
.LBB2_2:
0x13: {  	p0 =	sne.s32 s22, $0xFFC0  }
0x14: {  	[tilespmem:s24+$0x5000] =	vst v0;
	s23 =	sadd.s32 $0x10, s23;
	s24 =	smov.u32 s22;
	s22 =	sadd.s32 $0x40, s22  }
.Ltmp0:
0x15: {  	(pc) =	sbr.rel @p0 .LBB2_2-.Ltmp0, $4  }
0x16: {  	_ = 	snop  }
0x17: {  	s24 =	sand.u32 $0xFE00, s24  }
0x18: {  	s25 =	sand.u32 $0x70, s23;
	s24 =	sshrl.u32 s24, $0x2  }
0x19: {  	s24 =	sor.u32 s25, s24  }
0x1a: {  	[tilespmem:s24+$0x5000] =	vst v0  }
0x1b: {  	[spmem:s5] =	stream.linear.scatter [tilespmem:s14], [sflag:$0x2], $0x4000, $0x38;
	[tilespmem:$0x1D000] =	vst v63  }
0x1c: {  	_ =	swait.ge [sflag:s15], $0x4000  }
0x1d: {  	[sflag:s15] =	ssyncset.done $0x0  }
0x1e: {  	[sflag:s15] =	ssyncadd.s32 $0xFFFFC000  }
0x1f: {  	[spmem:s6] =	stream.linear.scatter [tilespmem:s14], [sflag:$0x2], $0x4000, $0x38;
	[tilespmem:$0x1D000] =	vst v63  }
0x20: {  	_ =	swait.ge [sflag:s15], $0x4000  }
0x21: {  	[sflag:s15] =	ssyncset.done $0x0  }
0x22: {  	[sflag:s15] =	ssyncadd.s32 $0xFFFFC000  }
0x23: {  	[spmem:s7] =	stream.linear.scatter [tilespmem:s14], [sflag:$0x2], $0x4000, $0x38;
	[tilespmem:$0x1D000] =	vst v63  }
0x24: {  	_ =	swait.ge [sflag:s15], $0x4000  }
0x25: {  	[sflag:s15] =	ssyncset.done $0x0  }
0x26: {  	[sflag:s15] =	ssyncadd.s32 $0xFFFFC000  }
0x27: {  	[spmem:s8] =	stream.linear.scatter [tilespmem:s14], [sflag:$0x2], $0x4000, $0x38;
	[tilespmem:$0x1D000] =	vst v63  }
0x28: {  	_ =	swait.ge [sflag:s15], $0x4000  }
0x29: {  	[sflag:s15] =	ssyncset.done $0x0  }
0x2a: {  	[sflag:s15] =	ssyncadd.s32 $0xFFFFC000  }
0x2b: {  	[spmem:s9] =	stream.linear.scatter [tilespmem:s14], [sflag:$0x2], $0x4000, $0x38;
	[tilespmem:$0x1D000] =	vst v63  }
0x2c: {  	_ =	swait.ge [sflag:s15], $0x4000  }
0x2d: {  	[sflag:s15] =	ssyncset.done $0x0  }
0x2e: {  	[sflag:s15] =	ssyncadd.s32 $0xFFFFC000  }
0x2f: {  	s22 =	simm.s32 $0x0;
	[bflag:$0x0] =	sbarrier.arrive $0xFFFF  }
0x30: {  	[tilespmem:s22], [sflag:$0x2] =	stream.linear.gather [hbm4b:s10+s22], $0x2780, $0x38;
	[tilespmem:$0x1D000] =	vst v63  }
0x31: {  	_ =	swait.ge [sflag:s15], $0x2780  }
0x32: {  	[sflag:s15] =	ssyncset.done $0x0  }
0x33: {  	[sflag:s15] =	ssyncadd.s32 $0xFFFFD880  }
0x34: {  	[tilespmem:s16], [sflag:$0x2] =	stream.linear.gather [hbm4b:s11+s22], $0x2780, $0x38;
	[tilespmem:$0x1D000] =	vst v63  }
0x35: {  	_ =	swait.ge [sflag:s15], $0x2780  }
0x36: {  	[sflag:s15] =	ssyncset.done $0x0  }
0x37: {  	s30 =	simm.s32 $0x0;
	[sflag:s15] =	ssyncadd.s32 $0xFFFFD880  }
0x38: {  	[tilespmem:s14], [sflag:$0x1] =	stream.indirect.gather [hbm4b:s4+s17], $0x80, s30, s17, $0xb8;
	[tilespmem:$0x1D000] =	vst v63  }
0x39: {  	_ =	swait.ge [sflag:s18], $0x4000  }
0x3a: {  	[sflag:s18] =	ssyncset.done $0x0  }
0x3b: {  	s31 =	simm.s32 $0x2800;
	[sflag:s18] =	ssyncadd.s32 $0xFFFFC000  }
0x3c: {  	[spmem:s2] =	stream.indirect.scatter.add.f32 [tilespmem:s14], [sflag:$0x2], $0x80, s31, s17, $0xb8;
	[tilespmem:$0x1D000] =	vst v63  }
0x3d: {  	_ =	swait.ge [sflag:s15], $0x4000  }
0x3e: {  	s23 =	simm.s32 $0x400;
	s22 =	simm.s32 $0x200;
	[sflag:s15] =	ssyncset.done $0x0  }
.LBB2_4:
0x3f: {  	s24 =	sshra.s32 s22, $0x2  }
0x40: {  	[sflag:s15] =	ssyncadd.s32 $0xFFFFC000;
	s22 =	smov.u32 s23;
	s25 =	sadd.s32 $0x200, s23  }
0x41: {  	[tilespmem:s14], [sflag:$0x1] =	stream.indirect.gather [hbm4b:s4+s17], $0x80, s24, s17, $0xb8;
	[tilespmem:$0x1D000] =	vst v63  }
0x42: {  	p0 =	sne.s32 s23, $0x9C00;
	_ =	swait.ge [sflag:s18], $0x4000  }
.Ltmp1:
0x43: {  	[sflag:s18] =	ssyncset.done $0x0;
	(pc) =	sbr.rel @p0 .LBB2_4-.Ltmp1, $4  }
0x44: {  	s23 =	sadd.s32 $0x2800, s24;
	[sflag:s18] =	ssyncadd.s32 $0xFFFFC000  }
0x45: {  	[spmem:s2] =	stream.indirect.scatter.add.f32 [tilespmem:s14], [sflag:$0x2], $0x80, s23, s17, $0xb8;
	[tilespmem:$0x1D000] =	vst v63  }
0x46: {  	_ =	swait.ge [sflag:s15], $0x4000  }
0x47: {  	s23 =	smov.u32 s25;
	[sflag:s15] =	ssyncset.done $0x0  }
0x48: {  	s22 =	sshra.s32 s22, $0x2;
	[sflag:s15] =	ssyncadd.s32 $0xFFFFC000  }
0x49: {  	[tilespmem:s14], [sflag:$0x1] =	stream.indirect.gather [hbm4b:s4+s17], $0x80, s22, s17, $0xb8;
	[tilespmem:$0x1D000] =	vst v63  }
0x4a: {  	_ =	swait.ge [sflag:s18], $0x4000  }
0x4b: {  	[sflag:s18] =	ssyncset.done $0x0  }
0x4c: {  	s22 =	sadd.s32 $0x2800, s22;
	[sflag:s18] =	ssyncadd.s32 $0xFFFFC000  }
0x4d: {  	[spmem:s2] =	stream.indirect.scatter.add.f32 [tilespmem:s14], [sflag:$0x2], $0x80, s22, s17, $0xb8;
	[tilespmem:$0x1D000] =	vst v63  }
0x4e: {  	_ =	swait.ge [sflag:s15], $0x4000  }
0x4f: {  	s21 =	sadd.s32 $0x1, s21;
	[sflag:s15] =	ssyncset.done $0x0  }
0x50: {  	p0 =	sne.s32 s21, s13;
	[sflag:s15] =	ssyncadd.s32 $0xFFFFC000  }
.Ltmp2:
0x51: {  	[bflag:$0x0] =	sbarrier.arrive $0xFFFF;
	(pc) =	sbr.rel @p0 .LBB2_1-.Ltmp2, $4  }
0x52: {  	[hbm:s12], [sflag:s19] =	dma.local [spmem:s20], $0x2800  }
0x53: {  	_ =	swait.ge [sflag:s15], $0x2800  }
0x54: {  	[sflag:s15] =	ssyncset.done $0x0  }
0x55: {  	[sflag:s15] =	ssyncadd.s32 $0xFFFFD800  }
0x56: {  	_ =	sfence.sel $0x180000  }
0x57: {  	[bflag:$0x0] =	sbarrier.arrive $0xFFFF  }
0x58: {  	p0 =	sne.s32 s0, $0x0;
	_ =	strace $0x9000004A  }
0x59: {  	s0 =	sadd.s32 @!p0 $0x100000, s1;
	[bflag:$0x2] =	sbarrier.arrive $0xFFFF  }
0x5a: {  	[sflag:s0] =	ssyncadd.tile.s32 @!p0 $0x1;
	_ =	shalt  }
.Lfunc_end2:
_tile_overlayer_lowered:
.L_overlay_start_2:
0x5b: {  	(tag) =	ssettag $0x2  }
0x5c: {  	s0 =	rddreg [dreg:$0x0];
	s2 =	stileid.u32  }
0x5d: {  	s1 =	rddreg [dreg:$0x1];
	p0 =	sne.s32 s2, $0x0  }
0x5e: {  	s3 =	rddreg [dreg:$0x2];
	[bflag:$0x3] =	sbarrier.arrive $0xFFFF;
	s2 =	simm.s32 @!p0 $0x1C02  }
0x5f: {  	[timem:s3], [sflag:s2] =	dma.local @!p0 [hbm:s0], s1  }
0x60: {  	s0 =	simm.s32 @!p0 $0x2  }
0x61: {  	_ =	swait.ge @!p0 [sflag:s0], s1  }
0x62: {  	s1 =	ssub.s32 @!p0 $0x0, s1;
	[sflag:s0] =	ssyncset.done @!p0 $0x0  }
0x63: {  	[sflag:s0] =	ssyncadd.s32 @!p0 s1  }
0x64: {  	[bflag:$0x3] =	sbarrier.arrive $0xFFFF  }
0x65: {  	_ =	shalt  }

</sc_bundles>
